<compile_context>
chip_gen: v7x
topology: tpu7x:2x2x1
jax: 0.10.2.dev20260603
libtpu: 0.0.44.dev20260713+nightly
codegen_flags: <defaults>
</compile_context>

<pallas_src>
import jax
import jax.numpy as jnp
from jax import lax
from jax.experimental import pallas as pl
from jax.experimental.pallas import tpu as pltpu

K = 32
KK = K * K
XMIN, XMAX = -15.0, 15.0
YMIN, YMAX = -15.0, 15.0
EPS = 1e-06


def _splat_body(coord_ref, feat_ref, out_ref, w_ref, s_scr):
    j = pl.program_id(1)

    @pl.when(j == 0)
    def _build_and_weights():
        cxy = coord_ref[0]
        P = cxy.shape[0]
        cx = cxy[:, 0:1]
        cy = cxy[:, 1:2]
        gx = (cx - XMIN) / max(XMAX - XMIN, 1e-06) * (K - 1)
        gy = (cy - YMIN) / max(YMAX - YMIN, 1e-06) * (K - 1)
        x0 = jnp.floor(gx)
        y0 = jnp.floor(gy)
        x1 = x0 + 1.0
        y1 = y0 + 1.0
        wx1 = gx - x0
        wy1 = gy - y0
        wx0 = 1.0 - wx1
        wy0 = 1.0 - wy1
        cells = lax.broadcasted_iota(jnp.int32, (P, KK), 1)
        lanes32 = lax.broadcasted_iota(jnp.int32, (P, K), 1)
        S = jnp.zeros((P, KK), dtype=jnp.float32)
        w2d = jnp.zeros((K, K), dtype=jnp.float32)
        for nx, ny, w in ((x0, y0, wx0 * wy0), (x1, y0, wx1 * wy0),
                          (x0, y1, wx0 * wy1), (x1, y1, wx1 * wy1)):
            valid = ((nx >= 0) & (nx < K) & (ny >= 0) & (ny < K))
            ix = jnp.clip(nx, 0, K - 1).astype(jnp.int32)
            iy = jnp.clip(ny, 0, K - 1).astype(jnp.int32)
            idx = iy * K + ix
            wv = jnp.where(valid, w, 0.0)
            S = S + jnp.where(idx == cells, wv, 0.0)
            yhot_w = jnp.where(iy == lanes32, wv, 0.0)
            xhot = jnp.where(ix == lanes32, 1.0, 0.0)
            w2d = w2d + lax.dot_general(
                yhot_w, xhot, (((0,), (0,)), ((), ())),
                preferred_element_type=jnp.float32,
                precision=lax.Precision.HIGHEST)
        colsum = jnp.sum(S, axis=0)
        s_scr[...] = S * (1.0 / jnp.clip(colsum, EPS, None))[None, :]
        for ti in range(w_ref.shape[1]):
            w_ref[0, ti, 0, :, :] = w2d

    out_ref[0] = jnp.dot(feat_ref[0], s_scr[...],
                         preferred_element_type=jnp.float32,
                         precision=lax.Precision.DEFAULT)


def kernel(patch_features, coord_map):
    b, t, d, hp, wp = patch_features.shape
    P = hp * wp
    TD = t * d
    TDB = 512
    feats = patch_features.reshape(b, TD, P)
    coords = coord_map.reshape(b, P, 2)

    grid = (b, TD // TDB)
    world, weights = pl.pallas_call(
        _splat_body,
        grid=grid,
        in_specs=[
            pl.BlockSpec((1, P, 2), lambda i, j: (i, 0, 0)),
            pl.BlockSpec((1, TDB, P), lambda i, j: (i, j, 0)),
        ],
        out_specs=[
            pl.BlockSpec((1, TDB, KK), lambda i, j: (i, j, 0)),
            pl.BlockSpec((1, t, 1, K, K), lambda i, j: (i, 0, 0, 0, 0)),
        ],
        out_shape=[
            jax.ShapeDtypeStruct((b, TD, KK), jnp.float32),
            jax.ShapeDtypeStruct((b, t, 1, K, K), jnp.float32),
        ],
        scratch_shapes=[pltpu.VMEM((P, KK), jnp.float32)],
    )(coords, feats)
    world = world.reshape(b, t, d, K, K)
    return (world, weights)

# --- scband reference (transcript-rebuilt; emitter-appended) ---
"""Pipeline reference for scband-world-lattice-projector-34342558499433 (READ-ONLY COPY).

The authoritative reference and input builder live on the scoring server;
editing this copy changes nothing except your own understanding.
"""

import jax, jax.numpy as jnp
import numpy as np

K = 32
XMIN, XMAX = -15.0, 15.0
YMIN, YMAX = -15.0, 15.0
EPS = 1e-06


def setup_inputs(seed: int = 0) -> dict:
    key = jax.random.key(seed)
    k1, k2 = jax.random.split(key)
    B, T, D, H, W = 8, 16, 128, 32, 32
    patch_features = jax.random.normal(k1, (B, T, D, H, W), dtype=jnp.float32)
    # coord_map holds mm coordinates spanning the full lattice extent [-15, 15]
    coord_map = jax.random.uniform(k2, (B, H, W, 2), dtype=jnp.float32, minval=-15.0, maxval=15.0)
    return {"patch_features": patch_features, "coord_map": coord_map}


def reference(patch_features, coord_map):
    b, t, d, hp, wp = patch_features.shape
    P = hp * wp
    BT = b * t
    gx = (coord_map[..., 0] - XMIN) / max(XMAX - XMIN, 1e-06) * (K - 1)
    gy = (coord_map[..., 1] - YMIN) / max(YMAX - YMIN, 1e-06) * (K - 1)
    x0 = jnp.floor(gx)
    y0 = jnp.floor(gy)
    x1 = x0 + 1
    y1 = y0 + 1
    wx1 = gx - x0
    wy1 = gy - y0
    wx0 = 1.0 - wx1
    wy0 = 1.0 - wy1
    neighbors = ((x0, y0, wx0 * wy0), (x1, y0, wx1 * wy0), (x0, y1, wx0 * wy1), (x1, y1, wx1 * wy1))
    features = patch_features.reshape(b, t, d, P)
    world = jnp.zeros((BT, d, K * K), dtype=patch_features.dtype)
    weights = jnp.zeros((BT, 1, K * K), dtype=patch_features.dtype)
    bt_idx3 = jnp.arange(BT)[:, None, None]
    d_idx3 = jnp.arange(d)[None, :, None]
    bt_idx2 = jnp.arange(BT)[:, None]
    for nx, ny, w in neighbors:
        valid = ((nx >= 0) & (nx < K) & (ny >= 0) & (ny < K)).astype(patch_features.dtype)
        idx = (jnp.clip(ny, 0, K - 1) * K + jnp.clip(nx, 0, K - 1)).astype(jnp.int32).reshape(b, P)
        idx_bt = jnp.broadcast_to(idx[:, None, :], (b, t, P)).reshape(BT, P)
        w_bt = jnp.broadcast_to((w * valid).reshape(b, 1, P), (b, t, P)).reshape(BT, P)
        src = features.reshape(BT, d, P) * w_bt[:, None, :]
        world = world.at[bt_idx3, d_idx3, idx_bt[:, None, :]].add(src)
        weights = weights.at[bt_idx2, 0, idx_bt].add(w_bt)
    world = world / jnp.clip(weights, EPS, None)
    world = world.reshape(b, t, d, K, K)
    weights = weights.reshape(b, t, 1, K, K)
    return (world, weights)

if __name__ == "__main__":
    import jax
    _d = setup_inputs()
    print(jax.jit(kernel)(*tuple(_d.values())))

</pallas_src>

<mosaic_0001>
module attributes {stable_mosaic.version = 14 : i64} {
  func.func @_splat_body(%arg0: i32, %arg1: i32, %arg2: memref<1x1024x2xf32, #tpu.memory_space<vmem>>, %arg3: memref<1x512x1024xf32, #tpu.memory_space<vmem>>, %arg4: memref<1x512x1024xf32, #tpu.memory_space<vmem>>, %arg5: memref<1x16x1x32x32xf32, #tpu.memory_space<vmem>>, %arg6: memref<1024x1024xf32, #tpu.memory_space<vmem>>) attributes {dimension_semantics = [#tpu.dimension_semantics<arbitrary>, #tpu.dimension_semantics<arbitrary>], iteration_bounds = array<i64: 8, 4>, scalar_prefetch = 0 : i64, scratch_operands = 1 : i64, tpu.core_type = #tpu.core_type<tc>, window_params = [{transform_indices = @transform_0, window_bounds = array<i64: 1, 1024, 2>}, {transform_indices = @transform_1, window_bounds = array<i64: 1, 512, 1024>}, {transform_indices = @transform_2, window_bounds = array<i64: 1, 512, 1024>}, {transform_indices = @transform_3, window_bounds = array<i64: 1, 16, 1, 32, 32>}]} {
    %eq3A = arith.constant 0 : i32
    %eq3A_0 = arith.cmpi eq, %arg1, %eq3A : i32
    %convert_element_type3A = arith.extui %eq3A_0 : i1 to i32
    %cond3A = arith.constant 0 : i32
    %cond3A_1 = arith.cmpi ne, %convert_element_type3A, %cond3A : i32
    scf.if %cond3A_1 {
      %get3A_15 = arith.constant 0 : index
      %get3A_16 = arith.constant 0 : index
      %get3A_17 = arith.constant 0 : index
      %get3A_18 = vector.load %arg2[%get3A_15, %get3A_16, %get3A_17] : memref<1x1024x2xf32, #tpu.memory_space<vmem>>, vector<1x1024x2xf32>
      %get3A_19 = vector.shape_cast %get3A_18 : vector<1x1024x2xf32> to vector<1024x2xf32>
      %slice3A = vector.extract_strided_slice %get3A_19 {offsets = [0, 0], sizes = [1024, 1], strides = [1, 1]} : vector<1024x2xf32> to vector<1024x1xf32>
      %slice3A_20 = vector.extract_strided_slice %get3A_19 {offsets = [0, 1], sizes = [1024, 1], strides = [1, 1]} : vector<1024x2xf32> to vector<1024x1xf32>
      %sub3A = arith.constant -1.500000e+01 : f32
      %sub3A_21 = vector.broadcast %sub3A : f32 to vector<1024x1xf32>
      %sub3A_22 = arith.subf %slice3A, %sub3A_21 : vector<1024x1xf32>
      %div3A = arith.constant 3.000000e+01 : f32
      %div3A_23 = vector.broadcast %div3A : f32 to vector<1024x1xf32>
      %div3A_24 = arith.divf %sub3A_22, %div3A_23 : vector<1024x1xf32>
      %mul3A = arith.constant 3.100000e+01 : f32
      %mul3A_25 = vector.broadcast %mul3A : f32 to vector<1024x1xf32>
      %mul3A_26 = arith.mulf %div3A_24, %mul3A_25 : vector<1024x1xf32>
      %sub3A_27 = arith.constant -1.500000e+01 : f32
      %sub3A_28 = vector.broadcast %sub3A_27 : f32 to vector<1024x1xf32>
      %sub3A_29 = arith.subf %slice3A_20, %sub3A_28 : vector<1024x1xf32>
      %div3A_30 = arith.constant 3.000000e+01 : f32
      %div3A_31 = vector.broadcast %div3A_30 : f32 to vector<1024x1xf32>
      %div3A_32 = arith.divf %sub3A_29, %div3A_31 : vector<1024x1xf32>
      %mul3A_33 = arith.constant 3.100000e+01 : f32
      %mul3A_34 = vector.broadcast %mul3A_33 : f32 to vector<1024x1xf32>
      %mul3A_35 = arith.mulf %div3A_32, %mul3A_34 : vector<1024x1xf32>
      %floor3A = math.floor %mul3A_26 : vector<1024x1xf32>
      %floor3A_36 = math.floor %mul3A_35 : vector<1024x1xf32>
      %add3A = arith.constant 1.000000e+00 : f32
      %add3A_37 = vector.broadcast %add3A : f32 to vector<1024x1xf32>
      %add3A_38 = arith.addf %floor3A, %add3A_37 : vector<1024x1xf32>
      %add3A_39 = arith.constant 1.000000e+00 : f32
      %add3A_40 = vector.broadcast %add3A_39 : f32 to vector<1024x1xf32>
      %add3A_41 = arith.addf %floor3A_36, %add3A_40 : vector<1024x1xf32>
      %sub3A_42 = arith.subf %mul3A_26, %floor3A : vector<1024x1xf32>
      %sub3A_43 = arith.subf %mul3A_35, %floor3A_36 : vector<1024x1xf32>
      %sub3A_44 = arith.constant 1.000000e+00 : f32
      %sub3A_45 = vector.broadcast %sub3A_44 : f32 to vector<1024x1xf32>
      %sub3A_46 = arith.subf %sub3A_45, %sub3A_42 : vector<1024x1xf32>
      %sub3A_47 = arith.constant 1.000000e+00 : f32
      %sub3A_48 = vector.broadcast %sub3A_47 : f32 to vector<1024x1xf32>
      %sub3A_49 = arith.subf %sub3A_48, %sub3A_43 : vector<1024x1xf32>
      %iota3A = tpu.iota {dimensions = array<i32: 1>} : vector<1024x1024xi32>
      %iota3A_50 = tpu.iota {dimensions = array<i32: 1>} : vector<1024x32xi32>
      %broadcast_in_dim3A = arith.constant 0.000000e+00 : f32
      %broadcast_in_dim3A_51 = vector.broadcast %broadcast_in_dim3A : f32 to vector<1024x1024xf32>
      %broadcast_in_dim3A_52 = arith.constant 0.000000e+00 : f32
      %broadcast_in_dim3A_53 = vector.broadcast %broadcast_in_dim3A_52 : f32 to vector<32x32xf32>
      %mul3A_54 = arith.mulf %sub3A_46, %sub3A_49 : vector<1024x1xf32>
      %mul3A_55 = arith.mulf %sub3A_42, %sub3A_49 : vector<1024x1xf32>
      %mul3A_56 = arith.mulf %sub3A_46, %sub3A_43 : vector<1024x1xf32>
      %mul3A_57 = arith.mulf %sub3A_42, %sub3A_43 : vector<1024x1xf32>
      %ge3A = arith.constant 0.000000e+00 : f32
      %ge3A_58 = vector.broadcast %ge3A : f32 to vector<1024x1xf32>
      %ge3A_59 = arith.cmpf oge, %floor3A, %ge3A_58 : vector<1024x1xf32>
      %lt3A = arith.constant 3.200000e+01 : f32
      %lt3A_60 = vector.broadcast %lt3A : f32 to vector<1024x1xf32>
      %lt3A_61 = arith.cmpf olt, %floor3A, %lt3A_60 : vector<1024x1xf32>
      %and3A = arith.andi %ge3A_59, %lt3A_61 : vector<1024x1xi1>
      %ge3A_62 = arith.constant 0.000000e+00 : f32
      %ge3A_63 = vector.broadcast %ge3A_62 : f32 to vector<1024x1xf32>
      %ge3A_64 = arith.cmpf oge, %floor3A_36, %ge3A_63 : vector<1024x1xf32>
      %and3A_65 = arith.andi %and3A, %ge3A_64 : vector<1024x1xi1>
      %lt3A_66 = arith.constant 3.200000e+01 : f32
      %lt3A_67 = vector.broadcast %lt3A_66 : f32 to vector<1024x1xf32>
      %lt3A_68 = arith.cmpf olt, %floor3A_36, %lt3A_67 : vector<1024x1xf32>
      %and3A_69 = arith.andi %and3A_65, %lt3A_68 : vector<1024x1xi1>
      %jit3A = arith.constant 0 : i32
      %jit3A_70 = arith.constant 31 : i32
      %convert_element_type3A_71 = arith.sitofp %jit3A : i32 to f32
      %max3A = vector.broadcast %convert_element_type3A_71 : f32 to vector<1024x1xf32>
      %max3A_72 = arith.maximumf %max3A, %floor3A : vector<1024x1xf32>
      %convert_element_type3A_73 = arith.sitofp %jit3A_70 : i32 to f32
      %min3A = vector.broadcast %convert_element_type3A_73 : f32 to vector<1024x1xf32>
      %min3A_74 = arith.minimumf %min3A, %max3A_72 : vector<1024x1xf32>
      %convert_element_type3A_75 = arith.fptosi %min3A_74 : vector<1024x1xf32> to vector<1024x1xi32>
      %jit3A_76 = arith.constant 0 : i32
      %jit3A_77 = arith.constant 31 : i32
      %convert_element_type3A_78 = arith.sitofp %jit3A_76 : i32 to f32
      %max3A_79 = vector.broadcast %convert_element_type3A_78 : f32 to vector<1024x1xf32>
      %max3A_80 = arith.maximumf %max3A_79, %floor3A_36 : vector<1024x1xf32>
      %convert_element_type3A_81 = arith.sitofp %jit3A_77 : i32 to f32
      %min3A_82 = vector.broadcast %convert_element_type3A_81 : f32 to vector<1024x1xf32>
      %min3A_83 = arith.minimumf %min3A_82, %max3A_80 : vector<1024x1xf32>
      %convert_element_type3A_84 = arith.fptosi %min3A_83 : vector<1024x1xf32> to vector<1024x1xi32>
      %mul3A_85 = arith.constant 32 : i32
      %mul3A_86 = vector.broadcast %mul3A_85 : i32 to vector<1024x1xi32>
      %mul3A_87 = arith.muli %convert_element_type3A_84, %mul3A_86 : vector<1024x1xi32>
      %add3A_88 = arith.addi %mul3A_87, %convert_element_type3A_75 : vector<1024x1xi32>
      %jit3A_89 = arith.constant 0.000000e+00 : f32
      %broadcast_in_dim3A_90 = vector.broadcast %jit3A_89 : f32 to vector<1024x1xf32>
      %select_n3A = arith.select %and3A_69, %mul3A_54, %broadcast_in_dim3A_90 : vector<1024x1xi1>, vector<1024x1xf32>
      %eq3A_91 = vector.broadcast %add3A_88 : vector<1024x1xi32> to vector<1024x1024xi32>
      %eq3A_92 = arith.cmpi eq, %eq3A_91, %iota3A : vector<1024x1024xi32>
      %jit3A_93 = arith.constant 0.000000e+00 : f32
      %broadcast_in_dim3A_94 = vector.shape_cast %select_n3A : vector<1024x1xf32> to vector<1024x1xf32>
      %broadcast_in_dim3A_95 = vector.broadcast %broadcast_in_dim3A_94 : vector<1024x1xf32> to vector<1024x1024xf32>
      %broadcast_in_dim3A_96 = vector.broadcast %jit3A_93 : f32 to vector<1024x1024xf32>
      %select_n3A_97 = arith.select %eq3A_92, %broadcast_in_dim3A_95, %broadcast_in_dim3A_96 : vector<1024x1024xi1>, vector<1024x1024xf32>
      %add3A_98 = arith.addf %broadcast_in_dim3A_51, %select_n3A_97 : vector<1024x1024xf32>
      %eq3A_99 = vector.broadcast %convert_element_type3A_84 : vector<1024x1xi32> to vector<1024x32xi32>
      %eq3A_100 = arith.cmpi eq, %eq3A_99, %iota3A_50 : vector<1024x32xi32>
      %jit3A_101 = arith.constant 0.000000e+00 : f32
      %broadcast_in_dim3A_102 = vector.shape_cast %select_n3A : vector<1024x1xf32> to vector<1024x1xf32>
      %broadcast_in_dim3A_103 = vector.broadcast %broadcast_in_dim3A_102 : vector<1024x1xf32> to vector<1024x32xf32>
      %broadcast_in_dim3A_104 = vector.broadcast %jit3A_101 : f32 to vector<1024x32xf32>
      %select_n3A_105 = arith.select %eq3A_100, %broadcast_in_dim3A_103, %broadcast_in_dim3A_104 : vector<1024x32xi1>, vector<1024x32xf32>
      %eq3A_106 = vector.broadcast %convert_element_type3A_75 : vector<1024x1xi32> to vector<1024x32xi32>
      %eq3A_107 = arith.cmpi eq, %eq3A_106, %iota3A_50 : vector<1024x32xi32>
      %jit3A_108 = arith.constant 1.000000e+00 : f32
      %jit3A_109 = arith.constant 0.000000e+00 : f32
      %broadcast_in_dim3A_110 = vector.broadcast %jit3A_108 : f32 to vector<1024x32xf32>
      %broadcast_in_dim3A_111 = vector.broadcast %jit3A_109 : f32 to vector<1024x32xf32>
      %select_n3A_112 = arith.select %eq3A_107, %broadcast_in_dim3A_110, %broadcast_in_dim3A_111 : vector<1024x32xi1>, vector<1024x32xf32>
      %dot_general3A_113 = arith.constant dense<0.000000e+00> : vector<32x32xf32>
      %dot_general3A_114 = tpu.matmul %select_n3A_105, %select_n3A_112, %dot_general3A_113 {dimension_numbers = #tpu.dot_dimension_numbers<[0], [0], [1], [1], [0, 1, 1, 1], [], []>, precision = #tpu.contract_precision<fp32>, transpose_lhs_hint = false} : vector<1024x32xf32>, vector<1024x32xf32>, vector<32x32xf32> -> vector<32x32xf32>
      %add3A_115 = arith.addf %broadcast_in_dim3A_53, %dot_general3A_114 : vector<32x32xf32>
      %ge3A_116 = arith.constant 0.000000e+00 : f32
      %ge3A_117 = vector.broadcast %ge3A_116 : f32 to vector<1024x1xf32>
      %ge3A_118 = arith.cmpf oge, %add3A_38, %ge3A_117 : vector<1024x1xf32>
      %lt3A_119 = arith.constant 3.200000e+01 : f32
      %lt3A_120 = vector.broadcast %lt3A_119 : f32 to vector<1024x1xf32>
      %lt3A_121 = arith.cmpf olt, %add3A_38, %lt3A_120 : vector<1024x1xf32>
      %and3A_122 = arith.andi %ge3A_118, %lt3A_121 : vector<1024x1xi1>
      %ge3A_123 = arith.constant 0.000000e+00 : f32
      %ge3A_124 = vector.broadcast %ge3A_123 : f32 to vector<1024x1xf32>
      %ge3A_125 = arith.cmpf oge, %floor3A_36, %ge3A_124 : vector<1024x1xf32>
      %and3A_126 = arith.andi %and3A_122, %ge3A_125 : vector<1024x1xi1>
      %lt3A_127 = arith.constant 3.200000e+01 : f32
      %lt3A_128 = vector.broadcast %lt3A_127 : f32 to vector<1024x1xf32>
      %lt3A_129 = arith.cmpf olt, %floor3A_36, %lt3A_128 : vector<1024x1xf32>
      %and3A_130 = arith.andi %and3A_126, %lt3A_129 : vector<1024x1xi1>
      %jit3A_131 = arith.constant 0 : i32
      %jit3A_132 = arith.constant 31 : i32
      %convert_element_type3A_133 = arith.sitofp %jit3A_131 : i32 to f32
      %max3A_134 = vector.broadcast %convert_element_type3A_133 : f32 to vector<1024x1xf32>
      %max3A_135 = arith.maximumf %max3A_134, %add3A_38 : vector<1024x1xf32>
      %convert_element_type3A_136 = arith.sitofp %jit3A_132 : i32 to f32
      %min3A_137 = vector.broadcast %convert_element_type3A_136 : f32 to vector<1024x1xf32>
      %min3A_138 = arith.minimumf %min3A_137, %max3A_135 : vector<1024x1xf32>
      %convert_element_type3A_139 = arith.fptosi %min3A_138 : vector<1024x1xf32> to vector<1024x1xi32>
      %jit3A_140 = arith.constant 0 : i32
      %jit3A_141 = arith.constant 31 : i32
      %convert_element_type3A_142 = arith.sitofp %jit3A_140 : i32 to f32
      %max3A_143 = vector.broadcast %convert_element_type3A_142 : f32 to vector<1024x1xf32>
      %max3A_144 = arith.maximumf %max3A_143, %floor3A_36 : vector<1024x1xf32>
      %convert_element_type3A_145 = arith.sitofp %jit3A_141 : i32 to f32
      %min3A_146 = vector.broadcast %convert_element_type3A_145 : f32 to vector<1024x1xf32>
      %min3A_147 = arith.minimumf %min3A_146, %max3A_144 : vector<1024x1xf32>
      %convert_element_type3A_148 = arith.fptosi %min3A_147 : vector<1024x1xf32> to vector<1024x1xi32>
      %mul3A_149 = arith.constant 32 : i32
      %mul3A_150 = vector.broadcast %mul3A_149 : i32 to vector<1024x1xi32>
      %mul3A_151 = arith.muli %convert_element_type3A_148, %mul3A_150 : vector<1024x1xi32>
      %add3A_152 = arith.addi %mul3A_151, %convert_element_type3A_139 : vector<1024x1xi32>
      %jit3A_153 = arith.constant 0.000000e+00 : f32
      %broadcast_in_dim3A_154 = vector.broadcast %jit3A_153 : f32 to vector<1024x1xf32>
      %select_n3A_155 = arith.select %and3A_130, %mul3A_55, %broadcast_in_dim3A_154 : vector<1024x1xi1>, vector<1024x1xf32>
      %eq3A_156 = vector.broadcast %add3A_152 : vector<1024x1xi32> to vector<1024x1024xi32>
      %eq3A_157 = arith.cmpi eq, %eq3A_156, %iota3A : vector<1024x1024xi32>
      %jit3A_158 = arith.constant 0.000000e+00 : f32
      %broadcast_in_dim3A_159 = vector.shape_cast %select_n3A_155 : vector<1024x1xf32> to vector<1024x1xf32>
      %broadcast_in_dim3A_160 = vector.broadcast %broadcast_in_dim3A_159 : vector<1024x1xf32> to vector<1024x1024xf32>
      %broadcast_in_dim3A_161 = vector.broadcast %jit3A_158 : f32 to vector<1024x1024xf32>
      %select_n3A_162 = arith.select %eq3A_157, %broadcast_in_dim3A_160, %broadcast_in_dim3A_161 : vector<1024x1024xi1>, vector<1024x1024xf32>
      %add3A_163 = arith.addf %add3A_98, %select_n3A_162 : vector<1024x1024xf32>
      %eq3A_164 = vector.broadcast %convert_element_type3A_148 : vector<1024x1xi32> to vector<1024x32xi32>
      %eq3A_165 = arith.cmpi eq, %eq3A_164, %iota3A_50 : vector<1024x32xi32>
      %jit3A_166 = arith.constant 0.000000e+00 : f32
      %broadcast_in_dim3A_167 = vector.shape_cast %select_n3A_155 : vector<1024x1xf32> to vector<1024x1xf32>
      %broadcast_in_dim3A_168 = vector.broadcast %broadcast_in_dim3A_167 : vector<1024x1xf32> to vector<1024x32xf32>
      %broadcast_in_dim3A_169 = vector.broadcast %jit3A_166 : f32 to vector<1024x32xf32>
      %select_n3A_170 = arith.select %eq3A_165, %broadcast_in_dim3A_168, %broadcast_in_dim3A_169 : vector<1024x32xi1>, vector<1024x32xf32>
      %eq3A_171 = vector.broadcast %convert_element_type3A_139 : vector<1024x1xi32> to vector<1024x32xi32>
      %eq3A_172 = arith.cmpi eq, %eq3A_171, %iota3A_50 : vector<1024x32xi32>
      %jit3A_173 = arith.constant 1.000000e+00 : f32
      %jit3A_174 = arith.constant 0.000000e+00 : f32
      %broadcast_in_dim3A_175 = vector.broadcast %jit3A_173 : f32 to vector<1024x32xf32>
      %broadcast_in_dim3A_176 = vector.broadcast %jit3A_174 : f32 to vector<1024x32xf32>
      %select_n3A_177 = arith.select %eq3A_172, %broadcast_in_dim3A_175, %broadcast_in_dim3A_176 : vector<1024x32xi1>, vector<1024x32xf32>
      %dot_general3A_178 = arith.constant dense<0.000000e+00> : vector<32x32xf32>
      %dot_general3A_179 = tpu.matmul %select_n3A_170, %select_n3A_177, %dot_general3A_178 {dimension_numbers = #tpu.dot_dimension_numbers<[0], [0], [1], [1], [0, 1, 1, 1], [], []>, precision = #tpu.contract_precision<fp32>, transpose_lhs_hint = false} : vector<1024x32xf32>, vector<1024x32xf32>, vector<32x32xf32> -> vector<32x32xf32>
      %add3A_180 = arith.addf %add3A_115, %dot_general3A_179 : vector<32x32xf32>
      %ge3A_181 = arith.constant 0.000000e+00 : f32
      %ge3A_182 = vector.broadcast %ge3A_181 : f32 to vector<1024x1xf32>
      %ge3A_183 = arith.cmpf oge, %floor3A, %ge3A_182 : vector<1024x1xf32>
      %lt3A_184 = arith.constant 3.200000e+01 : f32
      %lt3A_185 = vector.broadcast %lt3A_184 : f32 to vector<1024x1xf32>
      %lt3A_186 = arith.cmpf olt, %floor3A, %lt3A_185 : vector<1024x1xf32>
      %and3A_187 = arith.andi %ge3A_183, %lt3A_186 : vector<1024x1xi1>
      %ge3A_188 = arith.constant 0.000000e+00 : f32
      %ge3A_189 = vector.broadcast %ge3A_188 : f32 to vector<1024x1xf32>
      %ge3A_190 = arith.cmpf oge, %add3A_41, %ge3A_189 : vector<1024x1xf32>
      %and3A_191 = arith.andi %and3A_187, %ge3A_190 : vector<1024x1xi1>
      %lt3A_192 = arith.constant 3.200000e+01 : f32
      %lt3A_193 = vector.broadcast %lt3A_192 : f32 to vector<1024x1xf32>
      %lt3A_194 = arith.cmpf olt, %add3A_41, %lt3A_193 : vector<1024x1xf32>
      %and3A_195 = arith.andi %and3A_191, %lt3A_194 : vector<1024x1xi1>
      %jit3A_196 = arith.constant 0 : i32
      %jit3A_197 = arith.constant 31 : i32
      %convert_element_type3A_198 = arith.sitofp %jit3A_196 : i32 to f32
      %max3A_199 = vector.broadcast %convert_element_type3A_198 : f32 to vector<1024x1xf32>
      %max3A_200 = arith.maximumf %max3A_199, %floor3A : vector<1024x1xf32>
      %convert_element_type3A_201 = arith.sitofp %jit3A_197 : i32 to f32
      %min3A_202 = vector.broadcast %convert_element_type3A_201 : f32 to vector<1024x1xf32>
      %min3A_203 = arith.minimumf %min3A_202, %max3A_200 : vector<1024x1xf32>
      %convert_element_type3A_204 = arith.fptosi %min3A_203 : vector<1024x1xf32> to vector<1024x1xi32>
      %jit3A_205 = arith.constant 0 : i32
      %jit3A_206 = arith.constant 31 : i32
      %convert_element_type3A_207 = arith.sitofp %jit3A_205 : i32 to f32
      %max3A_208 = vector.broadcast %convert_element_type3A_207 : f32 to vector<1024x1xf32>
      %max3A_209 = arith.maximumf %max3A_208, %add3A_41 : vector<1024x1xf32>
      %convert_element_type3A_210 = arith.sitofp %jit3A_206 : i32 to f32
      %min3A_211 = vector.broadcast %convert_element_type3A_210 : f32 to vector<1024x1xf32>
      %min3A_212 = arith.minimumf %min3A_211, %max3A_209 : vector<1024x1xf32>
      %convert_element_type3A_213 = arith.fptosi %min3A_212 : vector<1024x1xf32> to vector<1024x1xi32>
      %mul3A_214 = arith.constant 32 : i32
      %mul3A_215 = vector.broadcast %mul3A_214 : i32 to vector<1024x1xi32>
      %mul3A_216 = arith.muli %convert_element_type3A_213, %mul3A_215 : vector<1024x1xi32>
      %add3A_217 = arith.addi %mul3A_216, %convert_element_type3A_204 : vector<1024x1xi32>
      %jit3A_218 = arith.constant 0.000000e+00 : f32
      %broadcast_in_dim3A_219 = vector.broadcast %jit3A_218 : f32 to vector<1024x1xf32>
      %select_n3A_220 = arith.select %and3A_195, %mul3A_56, %broadcast_in_dim3A_219 : vector<1024x1xi1>, vector<1024x1xf32>
      %eq3A_221 = vector.broadcast %add3A_217 : vector<1024x1xi32> to vector<1024x1024xi32>
      %eq3A_222 = arith.cmpi eq, %eq3A_221, %iota3A : vector<1024x1024xi32>
      %jit3A_223 = arith.constant 0.000000e+00 : f32
      %broadcast_in_dim3A_224 = vector.shape_cast %select_n3A_220 : vector<1024x1xf32> to vector<1024x1xf32>
      %broadcast_in_dim3A_225 = vector.broadcast %broadcast_in_dim3A_224 : vector<1024x1xf32> to vector<1024x1024xf32>
      %broadcast_in_dim3A_226 = vector.broadcast %jit3A_223 : f32 to vector<1024x1024xf32>
      %select_n3A_227 = arith.select %eq3A_222, %broadcast_in_dim3A_225, %broadcast_in_dim3A_226 : vector<1024x1024xi1>, vector<1024x1024xf32>
      %add3A_228 = arith.addf %add3A_163, %select_n3A_227 : vector<1024x1024xf32>
      %eq3A_229 = vector.broadcast %convert_element_type3A_213 : vector<1024x1xi32> to vector<1024x32xi32>
      %eq3A_230 = arith.cmpi eq, %eq3A_229, %iota3A_50 : vector<1024x32xi32>
      %jit3A_231 = arith.constant 0.000000e+00 : f32
      %broadcast_in_dim3A_232 = vector.shape_cast %select_n3A_220 : vector<1024x1xf32> to vector<1024x1xf32>
      %broadcast_in_dim3A_233 = vector.broadcast %broadcast_in_dim3A_232 : vector<1024x1xf32> to vector<1024x32xf32>
      %broadcast_in_dim3A_234 = vector.broadcast %jit3A_231 : f32 to vector<1024x32xf32>
      %select_n3A_235 = arith.select %eq3A_230, %broadcast_in_dim3A_233, %broadcast_in_dim3A_234 : vector<1024x32xi1>, vector<1024x32xf32>
      %eq3A_236 = vector.broadcast %convert_element_type3A_204 : vector<1024x1xi32> to vector<1024x32xi32>
      %eq3A_237 = arith.cmpi eq, %eq3A_236, %iota3A_50 : vector<1024x32xi32>
      %jit3A_238 = arith.constant 1.000000e+00 : f32
      %jit3A_239 = arith.constant 0.000000e+00 : f32
      %broadcast_in_dim3A_240 = vector.broadcast %jit3A_238 : f32 to vector<1024x32xf32>
      %broadcast_in_dim3A_241 = vector.broadcast %jit3A_239 : f32 to vector<1024x32xf32>
      %select_n3A_242 = arith.select %eq3A_237, %broadcast_in_dim3A_240, %broadcast_in_dim3A_241 : vector<1024x32xi1>, vector<1024x32xf32>
      %dot_general3A_243 = arith.constant dense<0.000000e+00> : vector<32x32xf32>
      %dot_general3A_244 = tpu.matmul %select_n3A_235, %select_n3A_242, %dot_general3A_243 {dimension_numbers = #tpu.dot_dimension_numbers<[0], [0], [1], [1], [0, 1, 1, 1], [], []>, precision = #tpu.contract_precision<fp32>, transpose_lhs_hint = false} : vector<1024x32xf32>, vector<1024x32xf32>, vector<32x32xf32> -> vector<32x32xf32>
      %add3A_245 = arith.addf %add3A_180, %dot_general3A_244 : vector<32x32xf32>
      %ge3A_246 = arith.constant 0.000000e+00 : f32
      %ge3A_247 = vector.broadcast %ge3A_246 : f32 to vector<1024x1xf32>
      %ge3A_248 = arith.cmpf oge, %add3A_38, %ge3A_247 : vector<1024x1xf32>
      %lt3A_249 = arith.constant 3.200000e+01 : f32
      %lt3A_250 = vector.broadcast %lt3A_249 : f32 to vector<1024x1xf32>
      %lt3A_251 = arith.cmpf olt, %add3A_38, %lt3A_250 : vector<1024x1xf32>
      %and3A_252 = arith.andi %ge3A_248, %lt3A_251 : vector<1024x1xi1>
      %ge3A_253 = arith.constant 0.000000e+00 : f32
      %ge3A_254 = vector.broadcast %ge3A_253 : f32 to vector<1024x1xf32>
      %ge3A_255 = arith.cmpf oge, %add3A_41, %ge3A_254 : vector<1024x1xf32>
      %and3A_256 = arith.andi %and3A_252, %ge3A_255 : vector<1024x1xi1>
      %lt3A_257 = arith.constant 3.200000e+01 : f32
      %lt3A_258 = vector.broadcast %lt3A_257 : f32 to vector<1024x1xf32>
      %lt3A_259 = arith.cmpf olt, %add3A_41, %lt3A_258 : vector<1024x1xf32>
      %and3A_260 = arith.andi %and3A_256, %lt3A_259 : vector<1024x1xi1>
      %jit3A_261 = arith.constant 0 : i32
      %jit3A_262 = arith.constant 31 : i32
      %convert_element_type3A_263 = arith.sitofp %jit3A_261 : i32 to f32
      %max3A_264 = vector.broadcast %convert_element_type3A_263 : f32 to vector<1024x1xf32>
      %max3A_265 = arith.maximumf %max3A_264, %add3A_38 : vector<1024x1xf32>
      %convert_element_type3A_266 = arith.sitofp %jit3A_262 : i32 to f32
      %min3A_267 = vector.broadcast %convert_element_type3A_266 : f32 to vector<1024x1xf32>
      %min3A_268 = arith.minimumf %min3A_267, %max3A_265 : vector<1024x1xf32>
      %convert_element_type3A_269 = arith.fptosi %min3A_268 : vector<1024x1xf32> to vector<1024x1xi32>
      %jit3A_270 = arith.constant 0 : i32
      %jit3A_271 = arith.constant 31 : i32
      %convert_element_type3A_272 = arith.sitofp %jit3A_270 : i32 to f32
      %max3A_273 = vector.broadcast %convert_element_type3A_272 : f32 to vector<1024x1xf32>
      %max3A_274 = arith.maximumf %max3A_273, %add3A_41 : vector<1024x1xf32>
      %convert_element_type3A_275 = arith.sitofp %jit3A_271 : i32 to f32
      %min3A_276 = vector.broadcast %convert_element_type3A_275 : f32 to vector<1024x1xf32>
      %min3A_277 = arith.minimumf %min3A_276, %max3A_274 : vector<1024x1xf32>
      %convert_element_type3A_278 = arith.fptosi %min3A_277 : vector<1024x1xf32> to vector<1024x1xi32>
      %mul3A_279 = arith.constant 32 : i32
      %mul3A_280 = vector.broadcast %mul3A_279 : i32 to vector<1024x1xi32>
      %mul3A_281 = arith.muli %convert_element_type3A_278, %mul3A_280 : vector<1024x1xi32>
      %add3A_282 = arith.addi %mul3A_281, %convert_element_type3A_269 : vector<1024x1xi32>
      %jit3A_283 = arith.constant 0.000000e+00 : f32
      %broadcast_in_dim3A_284 = vector.broadcast %jit3A_283 : f32 to vector<1024x1xf32>
      %select_n3A_285 = arith.select %and3A_260, %mul3A_57, %broadcast_in_dim3A_284 : vector<1024x1xi1>, vector<1024x1xf32>
      %eq3A_286 = vector.broadcast %add3A_282 : vector<1024x1xi32> to vector<1024x1024xi32>
      %eq3A_287 = arith.cmpi eq, %eq3A_286, %iota3A : vector<1024x1024xi32>
      %jit3A_288 = arith.constant 0.000000e+00 : f32
      %broadcast_in_dim3A_289 = vector.shape_cast %select_n3A_285 : vector<1024x1xf32> to vector<1024x1xf32>
      %broadcast_in_dim3A_290 = vector.broadcast %broadcast_in_dim3A_289 : vector<1024x1xf32> to vector<1024x1024xf32>
      %broadcast_in_dim3A_291 = vector.broadcast %jit3A_288 : f32 to vector<1024x1024xf32>
      %select_n3A_292 = arith.select %eq3A_287, %broadcast_in_dim3A_290, %broadcast_in_dim3A_291 : vector<1024x1024xi1>, vector<1024x1024xf32>
      %add3A_293 = arith.addf %add3A_228, %select_n3A_292 : vector<1024x1024xf32>
      %eq3A_294 = vector.broadcast %convert_element_type3A_278 : vector<1024x1xi32> to vector<1024x32xi32>
      %eq3A_295 = arith.cmpi eq, %eq3A_294, %iota3A_50 : vector<1024x32xi32>
      %jit3A_296 = arith.constant 0.000000e+00 : f32
      %broadcast_in_dim3A_297 = vector.shape_cast %select_n3A_285 : vector<1024x1xf32> to vector<1024x1xf32>
      %broadcast_in_dim3A_298 = vector.broadcast %broadcast_in_dim3A_297 : vector<1024x1xf32> to vector<1024x32xf32>
      %broadcast_in_dim3A_299 = vector.broadcast %jit3A_296 : f32 to vector<1024x32xf32>
      %select_n3A_300 = arith.select %eq3A_295, %broadcast_in_dim3A_298, %broadcast_in_dim3A_299 : vector<1024x32xi1>, vector<1024x32xf32>
      %eq3A_301 = vector.broadcast %convert_element_type3A_269 : vector<1024x1xi32> to vector<1024x32xi32>
      %eq3A_302 = arith.cmpi eq, %eq3A_301, %iota3A_50 : vector<1024x32xi32>
      %jit3A_303 = arith.constant 1.000000e+00 : f32
      %jit3A_304 = arith.constant 0.000000e+00 : f32
      %broadcast_in_dim3A_305 = vector.broadcast %jit3A_303 : f32 to vector<1024x32xf32>
      %broadcast_in_dim3A_306 = vector.broadcast %jit3A_304 : f32 to vector<1024x32xf32>
      %select_n3A_307 = arith.select %eq3A_302, %broadcast_in_dim3A_305, %broadcast_in_dim3A_306 : vector<1024x32xi1>, vector<1024x32xf32>
      %dot_general3A_308 = arith.constant dense<0.000000e+00> : vector<32x32xf32>
      %dot_general3A_309 = tpu.matmul %select_n3A_300, %select_n3A_307, %dot_general3A_308 {dimension_numbers = #tpu.dot_dimension_numbers<[0], [0], [1], [1], [0, 1, 1, 1], [], []>, precision = #tpu.contract_precision<fp32>, transpose_lhs_hint = false} : vector<1024x32xf32>, vector<1024x32xf32>, vector<32x32xf32> -> vector<32x32xf32>
      %add3A_310 = arith.addf %add3A_245, %dot_general3A_309 : vector<32x32xf32>
      %reduce_sum3A = arith.constant dense<0.000000e+00> : vector<1024xf32>
      %reduce_sum3A_311 = vector.multi_reduction <add>, %add3A_293, %reduce_sum3A [0] : vector<1024x1024xf32> to vector<1024xf32>
      %jit3A_312 = arith.constant 9.99999997E-7 : f32
      %max3A_313 = vector.broadcast %jit3A_312 : f32 to vector<1024xf32>
      %max3A_314 = arith.maximumf %max3A_313, %reduce_sum3A_311 : vector<1024xf32>
      %div3A_315 = arith.constant 1.000000e+00 : f32
      %div3A_316 = vector.broadcast %div3A_315 : f32 to vector<1024xf32>
      %div3A_317 = arith.divf %div3A_316, %max3A_314 : vector<1024xf32>
      %broadcast_in_dim3A_318 = vector.shape_cast %div3A_317 : vector<1024xf32> to vector<1x1024xf32>
      %mul3A_319 = vector.broadcast %broadcast_in_dim3A_318 : vector<1x1024xf32> to vector<1024x1024xf32>
      %mul3A_320 = arith.mulf %add3A_293, %mul3A_319 : vector<1024x1024xf32>
      %swap3A_321 = arith.constant 0 : index
      %swap3A_322 = arith.constant 0 : index
      %swap3A_323 = vector.load %arg6[%swap3A_321, %swap3A_322] : memref<1024x1024xf32, #tpu.memory_space<vmem>>, vector<1024x1024xf32>
      tpu.vector_store %arg6[%swap3A_321, %swap3A_322], %mul3A_320 {strides = array<i32>} : memref<1024x1024xf32, #tpu.memory_space<vmem>>, vector<1024x1024xf32>,
      %swap3A_324 = arith.constant 0 : index
      %swap3A_325 = arith.constant 0 : index
      %swap3A_326 = arith.constant 0 : index
      %swap3A_327 = arith.constant 0 : index
      %swap3A_328 = arith.constant 0 : index
      %swap3A_329 = vector.load %arg5[%swap3A_324, %swap3A_325, %swap3A_326, %swap3A_327, %swap3A_328] : memref<1x16x1x32x32xf32, #tpu.memory_space<vmem>>, vector<1x1x1x32x32xf32>
      %swap3A_330 = vector.shape_cast %swap3A_329 : vector<1x1x1x32x32xf32> to vector<32x32xf32>
      %swap3A_331 = vector.shape_cast %add3A_310 : vector<32x32xf32> to vector<1x1x1x32x32xf32>
      tpu.vector_store %arg5[%swap3A_324, %swap3A_325, %swap3A_326, %swap3A_327, %swap3A_328], %swap3A_331 {strides = array<i32>} : memref<1x16x1x32x32xf32, #tpu.memory_space<vmem>>, vector<1x1x1x32x32xf32>,
      %swap3A_332 = arith.constant 0 : index
      %swap3A_333 = arith.constant 1 : index
      %swap3A_334 = arith.constant 0 : index
      %swap3A_335 = arith.constant 0 : index
      %swap3A_336 = arith.constant 0 : index
      %swap3A_337 = vector.load %arg5[%swap3A_332, %swap3A_333, %swap3A_334, %swap3A_335, %swap3A_336] : memref<1x16x1x32x32xf32, #tpu.memory_space<vmem>>, vector<1x1x1x32x32xf32>
      %swap3A_338 = vector.shape_cast %swap3A_337 : vector<1x1x1x32x32xf32> to vector<32x32xf32>
      %swap3A_339 = vector.shape_cast %add3A_310 : vector<32x32xf32> to vector<1x1x1x32x32xf32>
      tpu.vector_store %arg5[%swap3A_332, %swap3A_333, %swap3A_334, %swap3A_335, %swap3A_336], %swap3A_339 {strides = array<i32>} : memref<1x16x1x32x32xf32, #tpu.memory_space<vmem>>, vector<1x1x1x32x32xf32>,
      %swap3A_340 = arith.constant 0 : index
      %swap3A_341 = arith.constant 2 : index
      %swap3A_342 = arith.constant 0 : index
      %swap3A_343 = arith.constant 0 : index
      %swap3A_344 = arith.constant 0 : index
      %swap3A_345 = vector.load %arg5[%swap3A_340, %swap3A_341, %swap3A_342, %swap3A_343, %swap3A_344] : memref<1x16x1x32x32xf32, #tpu.memory_space<vmem>>, vector<1x1x1x32x32xf32>
      %swap3A_346 = vector.shape_cast %swap3A_345 : vector<1x1x1x32x32xf32> to vector<32x32xf32>
      %swap3A_347 = vector.shape_cast %add3A_310 : vector<32x32xf32> to vector<1x1x1x32x32xf32>
      tpu.vector_store %arg5[%swap3A_340, %swap3A_341, %swap3A_342, %swap3A_343, %swap3A_344], %swap3A_347 {strides = array<i32>} : memref<1x16x1x32x32xf32, #tpu.memory_space<vmem>>, vector<1x1x1x32x32xf32>,
      %swap3A_348 = arith.constant 0 : index
      %swap3A_349 = arith.constant 3 : index
      %swap3A_350 = arith.constant 0 : index
      %swap3A_351 = arith.constant 0 : index
      %swap3A_352 = arith.constant 0 : index
      %swap3A_353 = vector.load %arg5[%swap3A_348, %swap3A_349, %swap3A_350, %swap3A_351, %swap3A_352] : memref<1x16x1x32x32xf32, #tpu.memory_space<vmem>>, vector<1x1x1x32x32xf32>
      %swap3A_354 = vector.shape_cast %swap3A_353 : vector<1x1x1x32x32xf32> to vector<32x32xf32>
      %swap3A_355 = vector.shape_cast %add3A_310 : vector<32x32xf32> to vector<1x1x1x32x32xf32>
      tpu.vector_store %arg5[%swap3A_348, %swap3A_349, %swap3A_350, %swap3A_351, %swap3A_352], %swap3A_355 {strides = array<i32>} : memref<1x16x1x32x32xf32, #tpu.memory_space<vmem>>, vector<1x1x1x32x32xf32>,
      %swap3A_356 = arith.constant 0 : index
      %swap3A_357 = arith.constant 4 : index
      %swap3A_358 = arith.constant 0 : index
      %swap3A_359 = arith.constant 0 : index
      %swap3A_360 = arith.constant 0 : index
      %swap3A_361 = vector.load %arg5[%swap3A_356, %swap3A_357, %swap3A_358, %swap3A_359, %swap3A_360] : memref<1x16x1x32x32xf32, #tpu.memory_space<vmem>>, vector<1x1x1x32x32xf32>
      %swap3A_362 = vector.shape_cast %swap3A_361 : vector<1x1x1x32x32xf32> to vector<32x32xf32>
      %swap3A_363 = vector.shape_cast %add3A_310 : vector<32x32xf32> to vector<1x1x1x32x32xf32>
      tpu.vector_store %arg5[%swap3A_356, %swap3A_357, %swap3A_358, %swap3A_359, %swap3A_360], %swap3A_363 {strides = array<i32>} : memref<1x16x1x32x32xf32, #tpu.memory_space<vmem>>, vector<1x1x1x32x32xf32>,
      %swap3A_364 = arith.constant 0 : index
      %swap3A_365 = arith.constant 5 : index
      %swap3A_366 = arith.constant 0 : index
      %swap3A_367 = arith.constant 0 : index
      %swap3A_368 = arith.constant 0 : index
      %swap3A_369 = vector.load %arg5[%swap3A_364, %swap3A_365, %swap3A_366, %swap3A_367, %swap3A_368] : memref<1x16x1x32x32xf32, #tpu.memory_space<vmem>>, vector<1x1x1x32x32xf32>
      %swap3A_370 = vector.shape_cast %swap3A_369 : vector<1x1x1x32x32xf32> to vector<32x32xf32>
      %swap3A_371 = vector.shape_cast %add3A_310 : vector<32x32xf32> to vector<1x1x1x32x32xf32>
      tpu.vector_store %arg5[%swap3A_364, %swap3A_365, %swap3A_366, %swap3A_367, %swap3A_368], %swap3A_371 {strides = array<i32>} : memref<1x16x1x32x32xf32, #tpu.memory_space<vmem>>, vector<1x1x1x32x32xf32>,
      %swap3A_372 = arith.constant 0 : index
      %swap3A_373 = arith.constant 6 : index
      %swap3A_374 = arith.constant 0 : index
      %swap3A_375 = arith.constant 0 : index
      %swap3A_376 = arith.constant 0 : index
      %swap3A_377 = vector.load %arg5[%swap3A_372, %swap3A_373, %swap3A_374, %swap3A_375, %swap3A_376] : memref<1x16x1x32x32xf32, #tpu.memory_space<vmem>>, vector<1x1x1x32x32xf32>
      %swap3A_378 = vector.shape_cast %swap3A_377 : vector<1x1x1x32x32xf32> to vector<32x32xf32>
      %swap3A_379 = vector.shape_cast %add3A_310 : vector<32x32xf32> to vector<1x1x1x32x32xf32>
      tpu.vector_store %arg5[%swap3A_372, %swap3A_373, %swap3A_374, %swap3A_375, %swap3A_376], %swap3A_379 {strides = array<i32>} : memref<1x16x1x32x32xf32, #tpu.memory_space<vmem>>, vector<1x1x1x32x32xf32>,
      %swap3A_380 = arith.constant 0 : index
      %swap3A_381 = arith.constant 7 : index
      %swap3A_382 = arith.constant 0 : index
      %swap3A_383 = arith.constant 0 : index
      %swap3A_384 = arith.constant 0 : index
      %swap3A_385 = vector.load %arg5[%swap3A_380, %swap3A_381, %swap3A_382, %swap3A_383, %swap3A_384] : memref<1x16x1x32x32xf32, #tpu.memory_space<vmem>>, vector<1x1x1x32x32xf32>
      %swap3A_386 = vector.shape_cast %swap3A_385 : vector<1x1x1x32x32xf32> to vector<32x32xf32>
      %swap3A_387 = vector.shape_cast %add3A_310 : vector<32x32xf32> to vector<1x1x1x32x32xf32>
      tpu.vector_store %arg5[%swap3A_380, %swap3A_381, %swap3A_382, %swap3A_383, %swap3A_384], %swap3A_387 {strides = array<i32>} : memref<1x16x1x32x32xf32, #tpu.memory_space<vmem>>, vector<1x1x1x32x32xf32>,
      %swap3A_388 = arith.constant 0 : index
      %swap3A_389 = arith.constant 8 : index
      %swap3A_390 = arith.constant 0 : index
      %swap3A_391 = arith.constant 0 : index
      %swap3A_392 = arith.constant 0 : index
      %swap3A_393 = vector.load %arg5[%swap3A_388, %swap3A_389, %swap3A_390, %swap3A_391, %swap3A_392] : memref<1x16x1x32x32xf32, #tpu.memory_space<vmem>>, vector<1x1x1x32x32xf32>
      %swap3A_394 = vector.shape_cast %swap3A_393 : vector<1x1x1x32x32xf32> to vector<32x32xf32>
      %swap3A_395 = vector.shape_cast %add3A_310 : vector<32x32xf32> to vector<1x1x1x32x32xf32>
      tpu.vector_store %arg5[%swap3A_388, %swap3A_389, %swap3A_390, %swap3A_391, %swap3A_392], %swap3A_395 {strides = array<i32>} : memref<1x16x1x32x32xf32, #tpu.memory_space<vmem>>, vector<1x1x1x32x32xf32>,
      %swap3A_396 = arith.constant 0 : index
      %swap3A_397 = arith.constant 9 : index
      %swap3A_398 = arith.constant 0 : index
      %swap3A_399 = arith.constant 0 : index
      %swap3A_400 = arith.constant 0 : index
      %swap3A_401 = vector.load %arg5[%swap3A_396, %swap3A_397, %swap3A_398, %swap3A_399, %swap3A_400] : memref<1x16x1x32x32xf32, #tpu.memory_space<vmem>>, vector<1x1x1x32x32xf32>
      %swap3A_402 = vector.shape_cast %swap3A_401 : vector<1x1x1x32x32xf32> to vector<32x32xf32>
      %swap3A_403 = vector.shape_cast %add3A_310 : vector<32x32xf32> to vector<1x1x1x32x32xf32>
      tpu.vector_store %arg5[%swap3A_396, %swap3A_397, %swap3A_398, %swap3A_399, %swap3A_400], %swap3A_403 {strides = array<i32>} : memref<1x16x1x32x32xf32, #tpu.memory_space<vmem>>, vector<1x1x1x32x32xf32>,
      %swap3A_404 = arith.constant 0 : index
      %swap3A_405 = arith.constant 10 : index
      %swap3A_406 = arith.constant 0 : index
      %swap3A_407 = arith.constant 0 : index
      %swap3A_408 = arith.constant 0 : index
      %swap3A_409 = vector.load %arg5[%swap3A_404, %swap3A_405, %swap3A_406, %swap3A_407, %swap3A_408] : memref<1x16x1x32x32xf32, #tpu.memory_space<vmem>>, vector<1x1x1x32x32xf32>
      %swap3A_410 = vector.shape_cast %swap3A_409 : vector<1x1x1x32x32xf32> to vector<32x32xf32>
      %swap3A_411 = vector.shape_cast %add3A_310 : vector<32x32xf32> to vector<1x1x1x32x32xf32>
      tpu.vector_store %arg5[%swap3A_404, %swap3A_405, %swap3A_406, %swap3A_407, %swap3A_408], %swap3A_411 {strides = array<i32>} : memref<1x16x1x32x32xf32, #tpu.memory_space<vmem>>, vector<1x1x1x32x32xf32>,
      %swap3A_412 = arith.constant 0 : index
      %swap3A_413 = arith.constant 11 : index
      %swap3A_414 = arith.constant 0 : index
      %swap3A_415 = arith.constant 0 : index
      %swap3A_416 = arith.constant 0 : index
      %swap3A_417 = vector.load %arg5[%swap3A_412, %swap3A_413, %swap3A_414, %swap3A_415, %swap3A_416] : memref<1x16x1x32x32xf32, #tpu.memory_space<vmem>>, vector<1x1x1x32x32xf32>
      %swap3A_418 = vector.shape_cast %swap3A_417 : vector<1x1x1x32x32xf32> to vector<32x32xf32>
      %swap3A_419 = vector.shape_cast %add3A_310 : vector<32x32xf32> to vector<1x1x1x32x32xf32>
      tpu.vector_store %arg5[%swap3A_412, %swap3A_413, %swap3A_414, %swap3A_415, %swap3A_416], %swap3A_419 {strides = array<i32>} : memref<1x16x1x32x32xf32, #tpu.memory_space<vmem>>, vector<1x1x1x32x32xf32>,
      %swap3A_420 = arith.constant 0 : index
      %swap3A_421 = arith.constant 12 : index
      %swap3A_422 = arith.constant 0 : index
      %swap3A_423 = arith.constant 0 : index
      %swap3A_424 = arith.constant 0 : index
      %swap3A_425 = vector.load %arg5[%swap3A_420, %swap3A_421, %swap3A_422, %swap3A_423, %swap3A_424] : memref<1x16x1x32x32xf32, #tpu.memory_space<vmem>>, vector<1x1x1x32x32xf32>
      %swap3A_426 = vector.shape_cast %swap3A_425 : vector<1x1x1x32x32xf32> to vector<32x32xf32>
      %swap3A_427 = vector.shape_cast %add3A_310 : vector<32x32xf32> to vector<1x1x1x32x32xf32>
      tpu.vector_store %arg5[%swap3A_420, %swap3A_421, %swap3A_422, %swap3A_423, %swap3A_424], %swap3A_427 {strides = array<i32>} : memref<1x16x1x32x32xf32, #tpu.memory_space<vmem>>, vector<1x1x1x32x32xf32>,
      %swap3A_428 = arith.constant 0 : index
      %swap3A_429 = arith.constant 13 : index
      %swap3A_430 = arith.constant 0 : index
      %swap3A_431 = arith.constant 0 : index
      %swap3A_432 = arith.constant 0 : index
      %swap3A_433 = vector.load %arg5[%swap3A_428, %swap3A_429, %swap3A_430, %swap3A_431, %swap3A_432] : memref<1x16x1x32x32xf32, #tpu.memory_space<vmem>>, vector<1x1x1x32x32xf32>
      %swap3A_434 = vector.shape_cast %swap3A_433 : vector<1x1x1x32x32xf32> to vector<32x32xf32>
      %swap3A_435 = vector.shape_cast %add3A_310 : vector<32x32xf32> to vector<1x1x1x32x32xf32>
      tpu.vector_store %arg5[%swap3A_428, %swap3A_429, %swap3A_430, %swap3A_431, %swap3A_432], %swap3A_435 {strides = array<i32>} : memref<1x16x1x32x32xf32, #tpu.memory_space<vmem>>, vector<1x1x1x32x32xf32>,
      %swap3A_436 = arith.constant 0 : index
      %swap3A_437 = arith.constant 14 : index
      %swap3A_438 = arith.constant 0 : index
      %swap3A_439 = arith.constant 0 : index
      %swap3A_440 = arith.constant 0 : index
      %swap3A_441 = vector.load %arg5[%swap3A_436, %swap3A_437, %swap3A_438, %swap3A_439, %swap3A_440] : memref<1x16x1x32x32xf32, #tpu.memory_space<vmem>>, vector<1x1x1x32x32xf32>
      %swap3A_442 = vector.shape_cast %swap3A_441 : vector<1x1x1x32x32xf32> to vector<32x32xf32>
      %swap3A_443 = vector.shape_cast %add3A_310 : vector<32x32xf32> to vector<1x1x1x32x32xf32>
      tpu.vector_store %arg5[%swap3A_436, %swap3A_437, %swap3A_438, %swap3A_439, %swap3A_440], %swap3A_443 {strides = array<i32>} : memref<1x16x1x32x32xf32, #tpu.memory_space<vmem>>, vector<1x1x1x32x32xf32>,
      %swap3A_444 = arith.constant 0 : index
      %swap3A_445 = arith.constant 15 : index
      %swap3A_446 = arith.constant 0 : index
      %swap3A_447 = arith.constant 0 : index
      %swap3A_448 = arith.constant 0 : index
      %swap3A_449 = vector.load %arg5[%swap3A_444, %swap3A_445, %swap3A_446, %swap3A_447, %swap3A_448] : memref<1x16x1x32x32xf32, #tpu.memory_space<vmem>>, vector<1x1x1x32x32xf32>
      %swap3A_450 = vector.shape_cast %swap3A_449 : vector<1x1x1x32x32xf32> to vector<32x32xf32>
      %swap3A_451 = vector.shape_cast %add3A_310 : vector<32x32xf32> to vector<1x1x1x32x32xf32>
      tpu.vector_store %arg5[%swap3A_444, %swap3A_445, %swap3A_446, %swap3A_447, %swap3A_448], %swap3A_451 {strides = array<i32>} : memref<1x16x1x32x32xf32, #tpu.memory_space<vmem>>, vector<1x1x1x32x32xf32>,
    } else {
    }
    %get3A = arith.constant 0 : index
    %get3A_2 = arith.constant 0 : index
    %get3A_3 = arith.constant 0 : index
    %get3A_4 = vector.load %arg3[%get3A, %get3A_2, %get3A_3] : memref<1x512x1024xf32, #tpu.memory_space<vmem>>, vector<1x512x1024xf32>
    %get3A_5 = vector.shape_cast %get3A_4 : vector<1x512x1024xf32> to vector<512x1024xf32>
    %get3A_6 = arith.constant 0 : index
    %get3A_7 = arith.constant 0 : index
    %get3A_8 = vector.load %arg6[%get3A_6, %get3A_7] : memref<1024x1024xf32, #tpu.memory_space<vmem>>, vector<1024x1024xf32>
    %dot_general3A = arith.constant dense<0.000000e+00> : vector<512x1024xf32>
    %dot_general3A_9 = tpu.matmul %get3A_5, %get3A_8, %dot_general3A {dimension_numbers = #tpu.dot_dimension_numbers<[1], [0], [0], [1], [0, 0, 1, 1], [], []>, transpose_lhs_hint = false} : vector<512x1024xf32>, vector<1024x1024xf32>, vector<512x1024xf32> -> vector<512x1024xf32>
    %swap3A = arith.constant 0 : index
    %swap3A_10 = arith.constant 0 : index
    %swap3A_11 = arith.constant 0 : index
    %swap3A_12 = vector.load %arg4[%swap3A, %swap3A_10, %swap3A_11] : memref<1x512x1024xf32, #tpu.memory_space<vmem>>, vector<1x512x1024xf32>
    %swap3A_13 = vector.shape_cast %swap3A_12 : vector<1x512x1024xf32> to vector<512x1024xf32>
    %swap3A_14 = vector.shape_cast %dot_general3A_9 : vector<512x1024xf32> to vector<1x512x1024xf32>
    tpu.vector_store %arg4[%swap3A, %swap3A_10, %swap3A_11], %swap3A_14 {strides = array<i32>} : memref<1x512x1024xf32, #tpu.memory_space<vmem>>, vector<1x512x1024xf32>,
    return
  }
  func.func @transform_0(%arg0: i32, %arg1: i32) -> (i32, i32, i32) {
    %c0_i32 = arith.constant 0 : i32
    %c0_i32_0 = arith.constant 0 : i32
    %c0_i32_1 = arith.constant 0 : i32
    return %arg0, %c0_i32, %c0_i32_0 : i32, i32, i32
  }
  func.func @transform_1(%arg0: i32, %arg1: i32) -> (i32, i32, i32) {
    %c0_i32 = arith.constant 0 : i32
    %c0_i32_0 = arith.constant 0 : i32
    return %arg0, %arg1, %c0_i32 : i32, i32, i32
  }
  func.func @transform_2(%arg0: i32, %arg1: i32) -> (i32, i32, i32) {
    %c0_i32 = arith.constant 0 : i32
    %c0_i32_0 = arith.constant 0 : i32
    return %arg0, %arg1, %c0_i32 : i32, i32, i32
  }
  func.func @transform_3(%arg0: i32, %arg1: i32) -> (i32, i32, i32, i32, i32) {
    %c0_i32 = arith.constant 0 : i32
    %c0_i32_0 = arith.constant 0 : i32
    %c0_i32_1 = arith.constant 0 : i32
    %c0_i32_2 = arith.constant 0 : i32
    %c0_i32_3 = arith.constant 0 : i32
    return %arg0, %c0_i32, %c0_i32_0, %c0_i32_1, %c0_i32_2 : i32, i32, i32, i32, i32
  }
}

</mosaic_0001>

<sc_bundles>
// kernel: sparse-core-data-format-call.1.cloned.1.call-start
scs
called_computation.1_lowered:
.L_overlay_start_0:
0x0: {  	s2 =	sld [smem:$0x3FD9]  }
0x1: {  	s3 =	sld [smem:$0x3FFE];
	_ =	sdelay $0x1  }
0x2: {  	s1 =	srdreg.scid  }
0x3: {  	s0 =	sand.u32 $0x1, s1  }
0x4: {  	s15 =	sshll.u32 s0, $0xA;
	s2 =	sadd.s32 s3, s2  }
0x5: {  	s2 =	sadd.s32 s2, s15  }
0x6: {  	[smem:$0x3FC6] =	sst s2  }
0x7: {  	_ = 	snop  }
0x8: {  	s2 =	sld [smem:$0x3FD0];
	_ =	sdelay $0x2  }
0x9: {  	s16 =	simm.s32 $0xA;
	s4 =	simm.s32 $0x10  }
0xa: {  	[smem:s4], [sflag:s16] =	dma.local [hbm:s2], $0x1  }
0xb: {  	_ =	swait.eq [sflag:s16], $0x1  }
0xc: {  	[sflag:s16] =	ssyncset.done $0x0  }
0xd: {  	[sflag:s16] =	ssyncadd.s32 $0xFFFFFFFF  }
0xe: {  	s17 =	sld [smem:$0x10];
	(tm) =	ssettm $0x1  }
0xf: {  	s18 =	sld [smem:$0x3FFB];
	_ =	sdelay $0x3  }
0x10: {  	_ =	strace s18  }
0x11: {  	s3 =	sld [smem:$0x3FFC];
	_ =	sdelay $0x3  }
0x12: {  	_ =	strace s3  }
0x13: {  	s3 =	sld [smem:$0x3FFD];
	_ =	sdelay $0x3  }
0x14: {  	_ =	strace s3  }
0x15: {  	_ =	strace $0x8FFFFFFF  }
0x16: {  	s19 =	sld [smem:$0x3FDB];
	_ =	sdelay $0x1  }
0x17: {  	s20 =	simm.s32 $_scs_section_size  }
0x18: {  	s5 =	simm.s32 $_size__tile_overlayer_lowered;
	s6 =	simm.s32 $_tile_overlayer_lowered  }
0x19: {  	s23 =	simm.s32 $0x1BFF;
	s22 =	sshll.u32 s6, $0x1;
	s3 =	sadd.s32 s20, s19  }
0x1a: {  	s7 =	simm.s32 $0x0;
	s21 =	sshll.u32 s5, $0x1;
	s5 =	sadd.s32 s22, s3  }
0x1b: {  	[timem:s7], [sflag:s23] =	dma.local [hbm:s5], s21  }
0x1c: {  	_ =	swait.ge [sflag:s23], s21  }
0x1d: {  	s4 =	ssub.s32 $0x0, s21;
	[sflag:s23] =	ssyncset.done $0x0  }
0x1e: {  	[sflag:s23] =	ssyncadd.s32 s4;
	_ =	sdelay $0x1  }
0x1f: {  	s24 =	simm.s32 $0x1B8B  }
0x20: {  	_ =	swait.ge [sflag:s24], $0x1  }
0x21: {  	[sflag:s24] =	ssyncset.done $0x0  }
0x22: {  	s26 =	simm.s32 $0x1B8E;
	s25 =	sld [smem:$0x3FFE];
	[sflag:s24] =	ssyncadd.s32 $0xFFFFFFFF  }
0x23: {  	s27 =	simm.s32 $execute0_lowered;
	[smem:$0x3FD2] =	sst s26  }
0x24: {  	s5 =	sshll.u32 s27, $0x1;
	_ =	strace $0x80000046;
	[dreg:$0x1] =	wrdreg $0xFFFFFFFF  }
0x25: {  	s28 =	simm.s32 $_size_execute0_lowered;
	s3 =	sadd.s32 s3, s5;
	[dreg:$0x0] =	wrdreg $0x0  }
0x26: {  	s5 =	sshll.u32 s28, $0x1;
	[dreg:$0x2] =	wrdreg s3  }
0x27: {  	[dreg:$0x3] =	wrdreg s5  }
0x28: {  	[dreg:$0x4] =	wrdreg $0xC0  }
0x29: {  	_ =	task [dreg:s7], $0x5FFFF  }
0x2a: {  	[dreg:$0x1] =	wrdreg $0xFFFFFFFF  }
0x2b: {  	[dreg:$0x0] =	wrdreg $0x60  }
0x2c: {  	[dreg:$0x2] =	wrdreg s17  }
0x2d: {  	[dreg:$0x3] =	wrdreg s25  }
0x2e: {  	[dreg:$0x4] =	wrdreg $0x9  }
0x2f: {  	_ =	task.clear_ibuf [dreg:s7], $0x5FFFF;
	_ =	strace $0x90000046  }
0x30: {  	s29 =	simm.s32 $0x9;
	_ =	strace $0x80000048  }
0x31: {  	_ =	swait.ge [sflag:s29], $0x1  }
0x32: {  	[sflag:s29] =	ssyncadd.s32 $0xFFFFFFFF  }
0x33: {  	_ =	strace $0x90000048  }
0x34: {  	_ =	sfence  }
0x35: {  	s30 =	sld [smem:$0x0];
	_ =	sdelay $0x2  }
0x36: {  	s31 =	sshll.u32 s1, $0xD;
	s1 =	sshrl.u32 s1, $0x2  }
0x37: {  	s3 =	sand.u32 $0x4000, s31;
	s1 =	sadd.s32 s1, s30  }
0x38: {  	s0 =	sor.u32 s3, s0;
	s1 =	sshll.u32 s1, $0x11  }
0x39: {  	s0 =	sor.u32 s1, s0  }
0x3a: {  	s0 =	sadd.s32 $0x8F2B, s0  }
0x3b: {  	[sflag:s0] =	ssyncadd.remote.s32 $0x1  }
0x3c: {  	_ =	sfence.sel $0xFFFF  }
0x3d: {  	[dreg:$0x0] =	wrdreg $0xFFFFFFFF;
	(pc) =	sbr.abs _section_cstart, $3  }
0x3e: {  	[dreg:$0x1] =	wrdreg $0xFFFFFFFF  }
0x3f: {  	_ =	task.clear_ibuf [dreg:s7], $0x2FFFF;
	_ =	strace $0x9FFFFFFF  }
0x40: {  	(tm) =	ssettm $0x7FFFFFFF  }
0x41: {  	_ =	shalt  }
tec
execute0_lowered:
.L_overlay_start_1:
0x0: {  	(tag) =	ssettag $0x1  }
0x1: {  	s2 =	rddreg [dreg:$0x0]  }
0x2: {  	s1 =	rddreg [dreg:$0x1]  }
0x3: {  	s0 =	rddreg [dreg:$0x2];
	_ =	strace $0x80000047;
	s4 =	srdreg.scid  }
.Ltmp0:
0x4: {  	s6 =	simm.s32 $0x2;
	p0 =	por $0x0, $0x0;
	(pc) =	sbr.rel .LBB1_1-.Ltmp0, $4  }
0x5: {  	s9 =	simm.s32 $0x0;
	s3 =	sadd.s32 $0xA00, s1;
	s5 =	sshll.u32 s4, $0x4  }
0x6: {  	s1 =	stileid.u32;
	s4 =	simm.s32 $0x1;
	s5 =	sand.u32 $0x10, s5  }
0x7: {  	s7 =	simm.s32 $0x0;
	[sflag:s4] =	ssyncpa.u1 $0x0;
	s5 =	sor.u32 s1, s5  }
0x8: {  	[sflag:s6] =	ssyncpa.u1 $0x0;
	s6 =	simm.s32 $0x0;
	s8 =	smov.u32 s5  }
.LBB1_7:
0x9: {  	s11 =	sadd.s32 $0x20, s8  }
0xa: {  	p1 =	slt.u32 s7, $0x2;
	s7 =	sadd.s32 $0x1, s7;
	p2 =	sgt.s32 s11, $0x3FF  }
0xb: {  	s11 =	smov.u32 @p2 s5;
	p2 =	sne.s32 s7, $0x22  }
.Ltmp1:
0xc: {  	_ = 	snop;
	(pc) =	sbr.rel @!p2 .LBB1_8-.Ltmp1, $4  }
0xd: {  	s10 =	simm.s32 @!p1 $0x2  }
0xe: {  	_ =	swait.ge @!p1 [sflag:s10], $0x4000  }
0xf: {  	s9 =	smov.u32 s8;
	[sflag:s10] =	ssyncset.done @!p1 $0x0  }
0x10: {  	p0 =	por !p0, !p0;
	s8 =	smov.u32 s11;
	[sflag:s10] =	ssyncadd.s32 @!p1 $0xFFFFC000  }
.LBB1_1:
0x11: {  	p1 =	sgt.u32 s7, $0x1F  }
0x12: {  	s10 =	sxor.u32 @!p1 $0xFFFFFFFF, s7  }
0x13: {  	s11 =	sshll.u32 @!p1 s8, $0xB;
	s10 =	sshll.u32 @!p1 s10, $0xE  }
0x14: {  	s12 =	simm.s32 @!p1 $0x0;
	s11 =	sadd.s32 @!p1 s2, s11;
	s10 =	sand.u32 @!p1 $0x4000, s10  }
0x15: {  	[tilespmem:s10], [sflag:$0x1] =	stream.linear.gather @!p1 [hbm4b:s11+s12], $0x4000, $0x38;
	[tilespmem:$0x10000] =	vst v63  }
0x16: {  	p1 =	seq.s32 s7, $0x0  }
0x17: {  	p2 =	seq.s32 @!p1 s7, $0x21  }
0x18: {  	p1 =	por p1, p2  }
.Ltmp2:
0x19: {  	_ = 	snop;
	(pc) =	sbr.rel @p1 .LBB1_7-.Ltmp2, $1  }
0x1a: {  	_ =	sdelay $0x3  }
0x1b: {  	s10 =	simm.s32 $0x1;
	_ =	swait.ge [sflag:s4], $0x4000;
	s12 =	sshll.u32 s7, $0xE  }
0x1c: {  	s13 =	simm.s32 $0x0;
	s10 =	simm.s32 @!p0 $0x0;
	[sflag:s4] =	ssyncset.done $0x0  }
0x1d: {  	s12 =	sand.u32 $0x4000, s12;
	s11 =	sshll.u32 s10, $0xE;
	[sflag:s4] =	ssyncadd.s32 $0xFFFFC000  }
0x1e: {  	s12 =	sor.u32 $0x8000, s12;
	s10 =	sor.u32 $0x8040, s11;
	s11 =	sor.u32 $0x40, s11  }
.LBB1_3:
0x1f: {  	v0 =	vmov s11;
	_ =	sdelay $0x3  }
0x20: {  	s15 =	simm.s32 $0x0  }
0x21: {  	v6 =	vld.idx.msk [tilespmem:v0+s15+$0x30 ss:$0x1], $0xffff  }
0x22: {  	v7 =	vld.idx.msk [tilespmem:v0+s15+$0xFFFFFFC0 ss:$0x1], $0xffff  }
0x23: {  	v5 =	vld.idx.msk [tilespmem:v0+s15+$0xFFFFFFD0 ss:$0x1], $0xffff  }
0x24: {  	v4 =	vld.idx.msk [tilespmem:v0+s15+$0xFFFFFFE0 ss:$0x1], $0xffff  }
0x25: {  	v3 =	vld.idx.msk [tilespmem:v0+s15+$0xFFFFFFF0 ss:$0x1], $0xffff  }
0x26: {  	v1 =	vld.idx.msk [tilespmem:v0+s15+$0x0 ss:$0x1], $0xffff  }
0x27: {  	v2 =	vld.idx.msk [tilespmem:v0+s15+$0x10 ss:$0x1], $0xffff;
	[tilespmem:s10+$0x30] =	vst v6  }
0x28: {  	s14 =	simm.s32 $0x80;
	s16 =	simm.s32 $0x400;
	[tilespmem:s10+$0xFFFFFFC0] =	vst v7;
	v6 =	vld.idx.msk [tilespmem:v0+s15+$0x20 ss:$0x1], $0xffff;
	s15 =	smov.u32 s10  }
.LBB1_4:
0x29: {  	p1 =	sne.s32 s16, $0xE00;
	v7 =	vld.idx.msk [tilespmem:v0+s14+$0x30 ss:$0x1], $0xffff;
	[tilespmem:s15+$0xFFFFFFD0] =	vst v5  }
0x2a: {  	v8 =	vld.idx.msk [tilespmem:v0+s14+$0xFFFFFFC0 ss:$0x1], $0xffff;
	[tilespmem:s15+$0xFFFFFFE0] =	vst v4  }
0x2b: {  	v5 =	vld.idx.msk [tilespmem:v0+s14+$0xFFFFFFD0 ss:$0x1], $0xffff;
	[tilespmem:s15+$0xFFFFFFF0] =	vst v3  }
.Ltmp3:
0x2c: {  	v4 =	vld.idx.msk [tilespmem:v0+s14+$0xFFFFFFE0 ss:$0x1], $0xffff;
	[tilespmem:s15+$0x0] =	vst v1;
	(pc) =	sbr.rel @p1 .LBB1_4-.Ltmp3, $4  }
0x2d: {  	v3 =	vld.idx.msk [tilespmem:v0+s14+$0xFFFFFFF0 ss:$0x1], $0xffff;
	[tilespmem:s15+$0x10] =	vst v2  }
0x2e: {  	v1 =	vld.idx.msk [tilespmem:v0+s14+$0x0 ss:$0x1], $0xffff;
	[tilespmem:s15+$0x20] =	vst v6;
	s15 =	sadd.s32 $0x800, s15  }
0x2f: {  	v2 =	vld.idx.msk [tilespmem:v0+s14+$0x10 ss:$0x1], $0xffff;
	[tilespmem:s15+$0x30] =	vst v7  }
0x30: {  	[tilespmem:s15+$0xFFFFFFC0] =	vst v8;
	v6 =	vld.idx.msk [tilespmem:v0+s14+$0x20 ss:$0x1], $0xffff;
	s14 =	sshra.s32 s16, $0x2;
	s16 =	sadd.s32 $0x200, s16  }
0x31: {  	_ =	sdelay $0x2  }
0x32: {  	[tilespmem:s15+$0xFFFFFFD0] =	vst v5  }
0x33: {  	v56 =	vld.idx.msk [tilespmem:v0+s14+$0x30 ss:$0x1], $0xffff;
	[tilespmem:s15+$0xFFFFFFE0] =	vst v4  }
0x34: {  	v57 =	vld.idx.msk [tilespmem:v0+s14+$0xFFFFFFC0 ss:$0x1], $0xffff;
	[tilespmem:s15+$0xFFFFFFF0] =	vst v3  }
0x35: {  	v58 =	vld.idx.msk [tilespmem:v0+s14+$0xFFFFFFD0 ss:$0x1], $0xffff;
	[tilespmem:s15+$0x0] =	vst v1  }
0x36: {  	v59 =	vld.idx.msk [tilespmem:v0+s14+$0xFFFFFFE0 ss:$0x1], $0xffff;
	[tilespmem:s15+$0x10] =	vst v2  }
0x37: {  	v60 =	vld.idx.msk [tilespmem:v0+s14+$0xFFFFFFF0 ss:$0x1], $0xffff;
	s31 =	sadd.s32 $0x800, s15;
	[tilespmem:s15+$0x20] =	vst v6  }
0x38: {  	v61 =	vld.idx.msk [tilespmem:v0+s14+$0x0 ss:$0x1], $0xffff;
	[tilespmem:s31+$0x30] =	vst v56  }
0x39: {  	v62 =	vld.idx.msk [tilespmem:v0+s14+$0x10 ss:$0x1], $0xffff;
	s13 =	sadd.s32 $0x1, s13;
	[tilespmem:s31+$0xFFFFFFC0] =	vst v57  }
0x3a: {  	v63 =	vld.idx.msk [tilespmem:v0+s14+$0x20 ss:$0x1], $0xffff;
	p1 =	sne.s32 s13, $0x10;
	[tilespmem:s31+$0xFFFFFFD0] =	vst v58  }
.Ltmp4:
0x3b: {  	[tilespmem:s31+$0xFFFFFFE0] =	vst v59;
	(pc) =	sbr.rel @p1 .LBB1_3-.Ltmp4, $4  }
0x3c: {  	[tilespmem:s31+$0xFFFFFFF0] =	vst v60  }
0x3d: {  	[tilespmem:s31+$0x0] =	vst v61  }
0x3e: {  	[tilespmem:s31+$0x10] =	vst v62  }
0x3f: {  	s10 =	sadd.s32 $0x80, s10;
	s11 =	sadd.s32 $0x400, s11;
	[tilespmem:s31+$0x20] =	vst v63  }
.Ltmp5:
0x40: {  	(pc) =	sbr.rel .LBB1_7-.Ltmp5, $4  }
0x41: {  	_ = 	snop  }
0x42: {  	s9 =	sshll.u32 s9, $0xB  }
0x43: {  	s9 =	sadd.s32 s3, s9  }
0x44: {  	[hbm4b:s9+s6] =	stream.linear.scatter [tilespmem:s12], [sflag:$0x2], $0x4000, $0x38;
	[tilespmem:$0x10000] =	vst v63  }
.LBB1_8:
0x45: {  	_ =	sfence.sel $0x180000  }
0x46: {  	s2 =	simm.s32 $0x1;
	[bflag:$0x0] =	sbarrier.arrive $0xFFFF  }
0x47: {  	s31 =	simm.s32 $0x2;
	[sflag:s2] =	ssyncpa.u1 $0x1  }
0x48: {  	[sflag:s31] =	ssyncpa.u1 $0x1  }
0x49: {  	p0 =	sne.s32 s1, $0x0;
	_ =	strace $0x90000047  }
0x4a: {  	s0 =	sadd.s32 @!p0 $0x100000, s0;
	[bflag:$0x2] =	sbarrier.arrive $0xFFFF  }
0x4b: {  	[sflag:s0] =	ssyncadd.tile.s32 @!p0 $0x1;
	_ =	shalt  }
.Lfunc_end1:
_tile_overlayer_lowered:
.L_overlay_start_2:
0x4c: {  	(tag) =	ssettag $0x2  }
0x4d: {  	s0 =	rddreg [dreg:$0x0];
	s2 =	stileid.u32  }
0x4e: {  	s1 =	rddreg [dreg:$0x1];
	p0 =	sne.s32 s2, $0x0  }
0x4f: {  	s3 =	rddreg [dreg:$0x2];
	[bflag:$0x3] =	sbarrier.arrive $0xFFFF;
	s2 =	simm.s32 @!p0 $0x1C01  }
0x50: {  	[timem:s3], [sflag:s2] =	dma.local @!p0 [hbm:s0], s1  }
0x51: {  	s0 =	simm.s32 @!p0 $0x1  }
0x52: {  	_ =	swait.ge @!p0 [sflag:s0], s1  }
0x53: {  	s1 =	ssub.s32 @!p0 $0x0, s1;
	[sflag:s0] =	ssyncset.done @!p0 $0x0  }
0x54: {  	[sflag:s0] =	ssyncadd.s32 @!p0 s1  }
0x55: {  	[bflag:$0x3] =	sbarrier.arrive $0xFFFF  }
0x56: {  	_ =	shalt  }

// kernel: sparse-core-data-format-call.cloned.1.call-start
scs
called_computation_lowered:
.L_overlay_start_0:
0x0: {  	s2 =	sld [smem:$0x3FD9]  }
0x1: {  	s3 =	sld [smem:$0x3FFE];
	_ =	sdelay $0x1  }
0x2: {  	s1 =	srdreg.scid  }
0x3: {  	s0 =	sand.u32 $0x1, s1  }
0x4: {  	s15 =	sshll.u32 s0, $0xA;
	s2 =	sadd.s32 s3, s2  }
0x5: {  	s2 =	sadd.s32 s2, s15  }
0x6: {  	[smem:$0x3FC6] =	sst s2  }
0x7: {  	_ = 	snop  }
0x8: {  	s2 =	sld [smem:$0x3FD0];
	_ =	sdelay $0x2  }
0x9: {  	s16 =	simm.s32 $0xA;
	s4 =	simm.s32 $0x10  }
0xa: {  	[smem:s4], [sflag:s16] =	dma.local [hbm:s2], $0x1  }
0xb: {  	_ =	swait.eq [sflag:s16], $0x1  }
0xc: {  	[sflag:s16] =	ssyncset.done $0x0  }
0xd: {  	[sflag:s16] =	ssyncadd.s32 $0xFFFFFFFF  }
0xe: {  	s17 =	sld [smem:$0x10];
	(tm) =	ssettm $0x1  }
0xf: {  	s18 =	sld [smem:$0x3FFB];
	_ =	sdelay $0x3  }
0x10: {  	_ =	strace s18  }
0x11: {  	s3 =	sld [smem:$0x3FFC];
	_ =	sdelay $0x3  }
0x12: {  	_ =	strace s3  }
0x13: {  	s3 =	sld [smem:$0x3FFD];
	_ =	sdelay $0x3  }
0x14: {  	_ =	strace s3  }
0x15: {  	_ =	strace $0x8FFFFFFF  }
0x16: {  	s19 =	sld [smem:$0x3FDB];
	_ =	sdelay $0x1  }
0x17: {  	s20 =	simm.s32 $_scs_section_size  }
0x18: {  	s5 =	simm.s32 $_size__tile_overlayer_lowered;
	s6 =	simm.s32 $_tile_overlayer_lowered  }
0x19: {  	s23 =	simm.s32 $0x1BFF;
	s22 =	sshll.u32 s6, $0x1;
	s3 =	sadd.s32 s20, s19  }
0x1a: {  	s7 =	simm.s32 $0x0;
	s21 =	sshll.u32 s5, $0x1;
	s5 =	sadd.s32 s22, s3  }
0x1b: {  	[timem:s7], [sflag:s23] =	dma.local [hbm:s5], s21  }
0x1c: {  	_ =	swait.ge [sflag:s23], s21  }
0x1d: {  	s4 =	ssub.s32 $0x0, s21;
	[sflag:s23] =	ssyncset.done $0x0  }
0x1e: {  	[sflag:s23] =	ssyncadd.s32 s4;
	_ =	sdelay $0x1  }
0x1f: {  	s24 =	simm.s32 $0x1B8B  }
0x20: {  	_ =	swait.ge [sflag:s24], $0x1  }
0x21: {  	[sflag:s24] =	ssyncset.done $0x0  }
0x22: {  	s26 =	simm.s32 $0x1B8E;
	s25 =	sld [smem:$0x3FFE];
	[sflag:s24] =	ssyncadd.s32 $0xFFFFFFFF  }
0x23: {  	s27 =	simm.s32 $execute0_lowered;
	[smem:$0x3FD2] =	sst s26  }
0x24: {  	s5 =	sshll.u32 s27, $0x1;
	_ =	strace $0x80000049;
	[dreg:$0x1] =	wrdreg $0xFFFFFFFF  }
0x25: {  	s28 =	simm.s32 $_size_execute0_lowered;
	s3 =	sadd.s32 s3, s5;
	[dreg:$0x0] =	wrdreg $0x0  }
0x26: {  	s5 =	sshll.u32 s28, $0x1;
	[dreg:$0x2] =	wrdreg s3  }
0x27: {  	[dreg:$0x3] =	wrdreg s5  }
0x28: {  	[dreg:$0x4] =	wrdreg $0xC0  }
0x29: {  	_ =	task [dreg:s7], $0x5FFFF  }
0x2a: {  	[dreg:$0x1] =	wrdreg $0xFFFFFFFF  }
0x2b: {  	[dreg:$0x0] =	wrdreg $0x60  }
0x2c: {  	[dreg:$0x2] =	wrdreg s25  }
0x2d: {  	[dreg:$0x3] =	wrdreg s17  }
0x2e: {  	[dreg:$0x4] =	wrdreg $0x9  }
0x2f: {  	_ =	task.clear_ibuf [dreg:s7], $0x5FFFF;
	_ =	strace $0x90000049  }
0x30: {  	s29 =	simm.s32 $0x9;
	_ =	strace $0x8000004B  }
0x31: {  	_ =	swait.ge [sflag:s29], $0x1  }
0x32: {  	[sflag:s29] =	ssyncadd.s32 $0xFFFFFFFF  }
0x33: {  	_ =	strace $0x9000004B  }
0x34: {  	_ =	sfence  }
0x35: {  	s30 =	sld [smem:$0x0];
	_ =	sdelay $0x2  }
0x36: {  	s31 =	sshll.u32 s1, $0xD;
	s1 =	sshrl.u32 s1, $0x2  }
0x37: {  	s3 =	sand.u32 $0x4000, s31;
	s1 =	sadd.s32 s1, s30  }
0x38: {  	s0 =	sor.u32 s3, s0;
	s1 =	sshll.u32 s1, $0x11  }
0x39: {  	s0 =	sor.u32 s1, s0  }
0x3a: {  	s0 =	sadd.s32 $0x8F2B, s0  }
0x3b: {  	[sflag:s0] =	ssyncadd.remote.s32 $0x1  }
0x3c: {  	_ =	sfence.sel $0xFFFF  }
0x3d: {  	[dreg:$0x0] =	wrdreg $0xFFFFFFFF;
	(pc) =	sbr.abs _section_cstart, $3  }
0x3e: {  	[dreg:$0x1] =	wrdreg $0xFFFFFFFF  }
0x3f: {  	_ =	task.clear_ibuf [dreg:s7], $0x2FFFF;
	_ =	strace $0x9FFFFFFF  }
0x40: {  	(tm) =	ssettm $0x7FFFFFFF  }
0x41: {  	_ =	shalt  }
tec
execute0_lowered:
.L_overlay_start_1:
0x0: {  	(tag) =	ssettag $0x1  }
0x1: {  	s1 =	rddreg [dreg:$0x0]  }
0x2: {  	s2 =	rddreg [dreg:$0x1]  }
0x3: {  	s0 =	rddreg [dreg:$0x2]  }
0x4: {  	s3 =	srdreg.scid;
	_ =	strace $0x8000004A;
	s5 =	simm.s32 $0x1  }
0x5: {  	s7 =	simm.s32 $0x2;
	s13 =	simm.s32 $0x0;
	p0 =	por $0x0, $0x0  }
0x6: {  	s8 =	simm.s32 $0x20000;
	s14 =	simm.s32 $0x0;
	s15 =	simm.s32 $0x0  }
.Ltmp0:
0x7: {  	s10 =	simm.s32 $0x0;
	s4 =	sshll.u32 s3, $0x4;
	(pc) =	sbr.rel .LBB1_1-.Ltmp0, $4  }
0x8: {  	s3 =	sadd.s32 $0xA00, s1;
	s1 =	stileid.u32;
	s4 =	sand.u32 $0x10, s4  }
0x9: {  	s9 =	simm.s32 $0x0;
	[sflag:s5] =	ssyncpa.u1 $0x0;
	s6 =	sor.u32 s1, s4  }
0xa: {  	[sflag:s7] =	ssyncpa.u1 $0x0;
	s4 =	sand.u32 $0x7, s1;
	s6 =	sshrl.u32 s6, $0x3  }
0xb: {  	s7 =	simm.s32 $0x400;
	s12 =	smov.u32 s4;
	s11 =	smov.u32 s6  }
.LBB1_7:
0xc: {  	s16 =	sadd.s32 $0x8, s10  }
0xd: {  	s13 =	sadd.s32 $0x4, s11;
	s17 =	smov.u32 s11;
	p2 =	sgt.s32 s16, $0x1F  }
0xe: {  	s17 =	smov.u32 @p2 s13  }
0xf: {  	s19 =	smov.u32 s12;
	s13 =	sadd.s32 $0x8, s12;
	p3 =	sgt.s32 s17, $0x1F  }
0x10: {  	p1 =	slt.u32 s9, $0x2;
	s19 =	smov.u32 @p3 s13  }
0x11: {  	s9 =	sadd.s32 $0x1, s9;
	s16 =	simm.s32 @p2 $0x0;
	p2 =	sgt.s32 s19, $0x7  }
0x12: {  	s19 =	smov.u32 @p2 s4;
	p2 =	sne.s32 s9, $0x22  }
.Ltmp1:
0x13: {  	s18 =	simm.s32 @!p1 $0x2;
	(pc) =	sbr.rel @!p2 .LBB1_8-.Ltmp1, $4  }
0x14: {  	s14 =	smov.u32 s11;
	_ =	swait.ge @!p1 [sflag:s18], $0x4000  }
0x15: {  	s15 =	smov.u32 s12;
	p0 =	por !p0, !p0;
	[sflag:s18] =	ssyncset.done @!p1 $0x0  }
0x16: {  	s17 =	smov.u32 @p3 s6;
	s13 =	smov.u32 s10;
	[sflag:s18] =	ssyncadd.s32 @!p1 $0xFFFFC000  }
0x17: {  	s10 =	smov.u32 s16;
	s11 =	smov.u32 s17;
	s12 =	smov.u32 s19  }
.LBB1_1:
0x18: {  	p1 =	sgt.u32 s9, $0x1F  }
0x19: {  	s16 =	sshll.u32 @!p1 s12, $0x12  }
0x1a: {  	s17 =	sxor.u32 @!p1 $0xFFFFFFFF, s9;
	s18 =	sshll.u32 @!p1 s11, $0xD;
	s16 =	sadd.s32 @!p1 s3, s16  }
0x1b: {  	s19 =	sshll.u32 @!p1 s10, $0x8;
	s17 =	sshll.u32 @!p1 s17, $0xE;
	s16 =	sadd.s32 @!p1 s18, s16  }
0x1c: {  	s17 =	sand.u32 @!p1 $0x4000, s17;
	s18 =	simm.s32 @!p1 $0x0;
	s16 =	sadd.s32 @!p1 s19, s16  }
0x1d: {  	[tilespmem:s17], [sflag:$0x1] =	stream.linear.gather @!p1 [hbm4b:s16+s18], $0x4000, $0x38;
	[tilespmem:$0x10000] =	vst v63  }
0x1e: {  	p1 =	seq.s32 s9, $0x0  }
0x1f: {  	p2 =	seq.s32 @!p1 s9, $0x21  }
0x20: {  	p1 =	por p1, p2  }
.Ltmp2:
0x21: {  	_ = 	snop;
	(pc) =	sbr.rel @p1 .LBB1_7-.Ltmp2, $1  }
0x22: {  	_ =	sdelay $0x3  }
0x23: {  	s16 =	simm.s32 $0x1;
	_ =	swait.ge [sflag:s5], $0x4000;
	s19 =	sshll.u32 s9, $0xE  }
0x24: {  	s16 =	simm.s32 @!p0 $0x0;
	[sflag:s5] =	ssyncset.done $0x0;
	s31 =	sand.u32 $0x4000, s19  }
0x25: {  	s19 =	simm.s32 $0x0;
	s16 =	sshll.u32 s16, $0xE;
	[sflag:s5] =	ssyncadd.s32 $0xFFFFC000  }
0x26: {  	s17 =	sor.u32 $0x8040, s16;
	s18 =	sor.u32 $0x40, s16;
	s16 =	sor.u32 $0x8000, s31  }
.LBB1_3:
0x27: {  	v0 =	vmov s18;
	_ =	sdelay $0x3  }
0x28: {  	s21 =	simm.s32 $0x0  }
0x29: {  	v6 =	vld.idx.msk [tilespmem:v0+s21+$0x30 ss:$0x1], $0xffff  }
0x2a: {  	v7 =	vld.idx.msk [tilespmem:v0+s21+$0xFFFFFFC0 ss:$0x1], $0xffff  }
0x2b: {  	v5 =	vld.idx.msk [tilespmem:v0+s21+$0xFFFFFFD0 ss:$0x1], $0xffff  }
0x2c: {  	v4 =	vld.idx.msk [tilespmem:v0+s21+$0xFFFFFFE0 ss:$0x1], $0xffff  }
0x2d: {  	v3 =	vld.idx.msk [tilespmem:v0+s21+$0xFFFFFFF0 ss:$0x1], $0xffff  }
0x2e: {  	v1 =	vld.idx.msk [tilespmem:v0+s21+$0x0 ss:$0x1], $0xffff  }
0x2f: {  	v2 =	vld.idx.msk [tilespmem:v0+s21+$0x10 ss:$0x1], $0xffff;
	[tilespmem:s17+$0x30] =	vst v6  }
0x30: {  	s20 =	simm.s32 $0x80;
	s22 =	simm.s32 $0x400;
	[tilespmem:s17+$0xFFFFFFC0] =	vst v7;
	v6 =	vld.idx.msk [tilespmem:v0+s21+$0x20 ss:$0x1], $0xffff;
	s21 =	smov.u32 s17  }
.LBB1_4:
0x31: {  	p1 =	sne.s32 s22, $0x1E00;
	v7 =	vld.idx.msk [tilespmem:v0+s20+$0x30 ss:$0x1], $0xffff;
	[tilespmem:s21+$0xFFFFFFD0] =	vst v5  }
0x32: {  	v8 =	vld.idx.msk [tilespmem:v0+s20+$0xFFFFFFC0 ss:$0x1], $0xffff;
	[tilespmem:s21+$0xFFFFFFE0] =	vst v4  }
0x33: {  	v5 =	vld.idx.msk [tilespmem:v0+s20+$0xFFFFFFD0 ss:$0x1], $0xffff;
	[tilespmem:s21+$0xFFFFFFF0] =	vst v3  }
.Ltmp3:
0x34: {  	v4 =	vld.idx.msk [tilespmem:v0+s20+$0xFFFFFFE0 ss:$0x1], $0xffff;
	[tilespmem:s21+$0x0] =	vst v1;
	(pc) =	sbr.rel @p1 .LBB1_4-.Ltmp3, $4  }
0x35: {  	v3 =	vld.idx.msk [tilespmem:v0+s20+$0xFFFFFFF0 ss:$0x1], $0xffff;
	[tilespmem:s21+$0x10] =	vst v2  }
0x36: {  	v1 =	vld.idx.msk [tilespmem:v0+s20+$0x0 ss:$0x1], $0xffff;
	[tilespmem:s21+$0x20] =	vst v6;
	s21 =	sadd.s32 $0x400, s21  }
0x37: {  	v2 =	vld.idx.msk [tilespmem:v0+s20+$0x10 ss:$0x1], $0xffff;
	[tilespmem:s21+$0x30] =	vst v7  }
0x38: {  	[tilespmem:s21+$0xFFFFFFC0] =	vst v8;
	v6 =	vld.idx.msk [tilespmem:v0+s20+$0x20 ss:$0x1], $0xffff;
	s20 =	sshra.s32 s22, $0x2;
	s22 =	sadd.s32 $0x200, s22  }
0x39: {  	_ =	sdelay $0x2  }
0x3a: {  	[tilespmem:s21+$0xFFFFFFD0] =	vst v5  }
0x3b: {  	v56 =	vld.idx.msk [tilespmem:v0+s20+$0x30 ss:$0x1], $0xffff;
	[tilespmem:s21+$0xFFFFFFE0] =	vst v4  }
0x3c: {  	v57 =	vld.idx.msk [tilespmem:v0+s20+$0xFFFFFFC0 ss:$0x1], $0xffff;
	[tilespmem:s21+$0xFFFFFFF0] =	vst v3  }
0x3d: {  	v58 =	vld.idx.msk [tilespmem:v0+s20+$0xFFFFFFD0 ss:$0x1], $0xffff;
	[tilespmem:s21+$0x0] =	vst v1  }
0x3e: {  	v59 =	vld.idx.msk [tilespmem:v0+s20+$0xFFFFFFE0 ss:$0x1], $0xffff;
	[tilespmem:s21+$0x10] =	vst v2  }
0x3f: {  	v60 =	vld.idx.msk [tilespmem:v0+s20+$0xFFFFFFF0 ss:$0x1], $0xffff;
	s31 =	sadd.s32 $0x400, s21;
	[tilespmem:s21+$0x20] =	vst v6  }
0x40: {  	v61 =	vld.idx.msk [tilespmem:v0+s20+$0x0 ss:$0x1], $0xffff;
	[tilespmem:s31+$0x30] =	vst v56  }
0x41: {  	v62 =	vld.idx.msk [tilespmem:v0+s20+$0x10 ss:$0x1], $0xffff;
	s19 =	sadd.s32 $0x1, s19;
	[tilespmem:s31+$0xFFFFFFC0] =	vst v57  }
0x42: {  	v63 =	vld.idx.msk [tilespmem:v0+s20+$0x20 ss:$0x1], $0xffff;
	p1 =	sne.s32 s19, $0x8;
	[tilespmem:s31+$0xFFFFFFD0] =	vst v58  }
.Ltmp4:
0x43: {  	[tilespmem:s31+$0xFFFFFFE0] =	vst v59;
	(pc) =	sbr.rel @p1 .LBB1_3-.Ltmp4, $4  }
0x44: {  	[tilespmem:s31+$0xFFFFFFF0] =	vst v60  }
0x45: {  	[tilespmem:s31+$0x0] =	vst v61  }
0x46: {  	[tilespmem:s31+$0x10] =	vst v62  }
0x47: {  	s17 =	sadd.s32 $0x80, s17;
	s18 =	sadd.s32 $0x800, s18;
	[tilespmem:s31+$0x20] =	vst v63  }
.Ltmp5:
0x48: {  	s15 =	sshll.u32 s15, $0x12;
	(pc) =	sbr.rel .LBB1_7-.Ltmp5, $4  }
0x49: {  	s14 =	sshll.u32 s14, $0x9;
	s13 =	sshll.u32 s13, $0x4;
	s15 =	sadd.s32 s2, s15  }
0x4a: {  	s13 =	sand.u32 $0x1F0, s13;
	s14 =	sadd.s32 s14, s15  }
0x4b: {  	s13 =	sadd.s32 s13, s14  }
0x4c: {  	[hbm4b:s13+s7] =	stream.strided.scatter [tilespmem:s16], [sflag:$0x2], $0x4000, s8, s7, $0x38;
	[tilespmem:$0x10000] =	vst v63  }
.LBB1_8:
0x4d: {  	_ =	sfence.sel $0x180000  }
0x4e: {  	s2 =	simm.s32 $0x1;
	[bflag:$0x0] =	sbarrier.arrive $0xFFFF  }
0x4f: {  	s31 =	simm.s32 $0x2;
	[sflag:s2] =	ssyncpa.u1 $0x1  }
0x50: {  	[sflag:s31] =	ssyncpa.u1 $0x1  }
0x51: {  	p0 =	sne.s32 s1, $0x0;
	_ =	strace $0x9000004A  }
0x52: {  	s0 =	sadd.s32 @!p0 $0x100000, s0;
	[bflag:$0x2] =	sbarrier.arrive $0xFFFF  }
0x53: {  	[sflag:s0] =	ssyncadd.tile.s32 @!p0 $0x1;
	_ =	shalt  }
.Lfunc_end1:
_tile_overlayer_lowered:
.L_overlay_start_2:
0x54: {  	(tag) =	ssettag $0x2  }
0x55: {  	s0 =	rddreg [dreg:$0x0];
	s2 =	stileid.u32  }
0x56: {  	s1 =	rddreg [dreg:$0x1];
	p0 =	sne.s32 s2, $0x0  }
0x57: {  	s3 =	rddreg [dreg:$0x2];
	[bflag:$0x3] =	sbarrier.arrive $0xFFFF;
	s2 =	simm.s32 @!p0 $0x1C01  }
0x58: {  	[timem:s3], [sflag:s2] =	dma.local @!p0 [hbm:s0], s1  }
0x59: {  	s0 =	simm.s32 @!p0 $0x1  }
0x5a: {  	_ =	swait.ge @!p0 [sflag:s0], s1  }
0x5b: {  	s1 =	ssub.s32 @!p0 $0x0, s1;
	[sflag:s0] =	ssyncset.done @!p0 $0x0  }
0x5c: {  	[sflag:s0] =	ssyncadd.s32 @!p0 s1  }
0x5d: {  	[bflag:$0x3] =	sbarrier.arrive $0xFFFF  }
0x5e: {  	_ =	shalt  }

</sc_bundles>
